<compile_context>
chip_gen: v7x
topology: tpu7x:2x2x1
jax: 0.10.2.dev20260603
libtpu: 0.0.44.dev20260713+nightly
codegen_flags: <defaults>
</compile_context>

<pallas_src>
import functools

import jax
import jax.numpy as jnp
from jax import lax
from jax.experimental import pallas as pl
from jax.experimental.pallas import tpu as pltpu
from jax.experimental.pallas import tpu_sc as plsc

_ROWS = 50000
_D = 128
_NW = 32
_PW = 1568
_C = 56
_NCH = _PW // _C
_NB = 8
_LAST_W_BASE = _ROWS - _PW
_LOOP_LO = _NB
_LOOP_HI = _NCH - ((_NCH - _NB) % _NB)


@functools.partial(
    pl.kernel,
    mesh=plsc.VectorSubcoreMesh(core_axis_name="c", subcore_axis_name="s"),
    out_type=jax.ShapeDtypeStruct((_ROWS, _D), jnp.float32),
    scratch_types=[
        pltpu.VMEM((_PW,), jnp.int32),
        pltpu.VMEM((_NB, _C, _D), jnp.float32),
    ] + [pltpu.SemaphoreType.DMA] * (2 * _NB),
)
def _gather_sc(table_hbm, idx_hbm, out_hbm, idx_v, bufs, *sems):
    sgs = sems[:_NB]
    sss = sems[_NB:]
    wid = lax.axis_index("s") * 2 + lax.axis_index("c")
    base_w = jnp.minimum(wid * _PW, _LAST_W_BASE)
    pltpu.sync_copy(idx_hbm.at[pl.ds(base_w, _PW)], idx_v)

    def start_gather(j, p):
        pltpu.async_copy(
            table_hbm.at[idx_v.at[pl.ds(j * _C, _C)]], bufs.at[p], sgs[p])

    def start_store(j, p):
        pltpu.async_copy(
            bufs.at[p], out_hbm.at[pl.ds(base_w + j * _C, _C)], sss[p])

    def wait_gather(p):
        pltpu.make_async_copy(
            out_hbm.at[pl.ds(base_w, _C)], bufs.at[p], sgs[p]).wait()

    def wait_store(p):
        pltpu.make_async_copy(
            bufs.at[p], out_hbm.at[pl.ds(base_w, _C)], sss[p]).wait()

    for b in range(_NB):
        start_gather(b, b)
    wait_gather(0)
    start_store(0, 0)

    @pl.loop(_LOOP_LO, _LOOP_HI, step=_NB)
    def _body(j0):
        for b in range(_NB):
            j = j0 + b
            p = b
            q = (b + 1) % _NB
            wait_store(p)
            start_gather(j, p)
            wait_gather(q)
            start_store(j - (_NB - 1), q)

    for j in range(_LOOP_HI, _NCH):
        p = j % _NB
        q = (j + 1) % _NB
        wait_store(p)
        start_gather(j, p)
        wait_gather(q)
        start_store(j - (_NB - 1), q)

    for j in range(_NCH - (_NB - 1), _NCH):
        p = j % _NB
        wait_gather(p)
        start_store(j, p)
    for p in range(_NB):
        wait_store(p)


def kernel(features, sel_idx_up):
    idx = sel_idx_up.reshape(-1)
    return _gather_sc(features, idx)

# --- scband reference (transcript-rebuilt; emitter-appended) ---
"""Pipeline reference for scband-select-up-6906307412024 (READ-ONLY COPY).

The authoritative reference and input builder live on the scoring server;
editing this copy changes nothing except your own understanding.
"""

import jax, jax.numpy as jnp
import numpy as np


def setup_inputs(seed: int = 0) -> dict:
    key = jax.random.key(seed)
    k1, k2 = jax.random.split(key)
    features = jax.random.normal(k1, (100000, 128), dtype=jnp.float32)
    sel_idx_up = jax.random.randint(k2, (50000, 1), 0, 100000, dtype=jnp.int32)
    return {"features": features, "sel_idx_up": sel_idx_up}


def reference(features, sel_idx_up):
    # tf.gather_nd(features, sel_idx_up) with sel_idx_up of shape [M, 1] on a
    # rank-2 features tensor selects full rows -> shape [M, d]
    up_f = jnp.take(features, sel_idx_up[:, 0], axis=0)
    up_f = jnp.reshape(up_f, (-1, features.shape[1]))
    return up_f

if __name__ == "__main__":
    import jax
    _d = setup_inputs()
    print(jax.jit(kernel)(*tuple(_d.values())))

</pallas_src>

<mosaic_0001>
#map = affine_map<(d0, d1) -> (0, 0)>
#map1 = affine_map<(d0, d1) -> (0)>
module attributes {stable_mosaic.version = 14 : i64} {
  func.func @_gather_sc(%arg0: i32, %arg1: i32, %arg2: memref<100000x128xf32, #tpu.memory_space<hbm>>, %arg3: memref<50000xi32, #tpu.memory_space<hbm>>, %arg4: memref<50000x128xf32, #tpu.memory_space<hbm>>, %arg5: memref<1568xi32, #tpu.memory_space<vmem>>, %arg6: memref<8x56x128xf32, #tpu.memory_space<vmem>>, %arg7: memref<!tpu.dma_semaphore, #tpu.memory_space<semaphore_mem>>, %arg8: memref<!tpu.dma_semaphore, #tpu.memory_space<semaphore_mem>>, %arg9: memref<!tpu.dma_semaphore, #tpu.memory_space<semaphore_mem>>, %arg10: memref<!tpu.dma_semaphore, #tpu.memory_space<semaphore_mem>>, %arg11: memref<!tpu.dma_semaphore, #tpu.memory_space<semaphore_mem>>, %arg12: memref<!tpu.dma_semaphore, #tpu.memory_space<semaphore_mem>>, %arg13: memref<!tpu.dma_semaphore, #tpu.memory_space<semaphore_mem>>, %arg14: memref<!tpu.dma_semaphore, #tpu.memory_space<semaphore_mem>>, %arg15: memref<!tpu.dma_semaphore, #tpu.memory_space<semaphore_mem>>, %arg16: memref<!tpu.dma_semaphore, #tpu.memory_space<semaphore_mem>>, %arg17: memref<!tpu.dma_semaphore, #tpu.memory_space<semaphore_mem>>, %arg18: memref<!tpu.dma_semaphore, #tpu.memory_space<semaphore_mem>>, %arg19: memref<!tpu.dma_semaphore, #tpu.memory_space<semaphore_mem>>, %arg20: memref<!tpu.dma_semaphore, #tpu.memory_space<semaphore_mem>>, %arg21: memref<!tpu.dma_semaphore, #tpu.memory_space<semaphore_mem>>, %arg22: memref<!tpu.dma_semaphore, #tpu.memory_space<semaphore_mem>>) attributes {dimension_semantics = [#tpu.dimension_semantics<core_parallel>, #tpu.dimension_semantics<subcore_parallel>], iteration_bounds = array<i64: 2, 16>, scalar_prefetch = 0 : i64, scratch_operands = 18 : i64, tpu.core_type = #tpu.core_type<sc_vector_subcore>, window_params = [{transform_indices = #map}, {transform_indices = #map1}, {transform_indices = #map}]} {
    %mul3A = arith.constant 2 : i32
    %mul3A_0 = arith.muli %arg1, %mul3A : i32
    %add3A = arith.addi %mul3A_0, %arg0 : i32
    %mul3A_1 = arith.constant 1568 : i32
    %mul3A_2 = arith.muli %add3A, %mul3A_1 : i32
    %min3A = arith.constant 48432 : i32
    %min3A_3 = arith.minsi %mul3A_2, %min3A : i32
    "tpu.region"() ({
      %run_scoped3A = tpu.sem_alloc : memref<!tpu.dma_semaphore, #tpu.memory_space<semaphore_mem>>
      %dma_start3A_618 = tpu.memref_slice %arg3[%min3A_3] : memref<50000xi32, #tpu.memory_space<hbm>> -> memref<1568xi32, #tpu.memory_space<hbm>>
      %dma_start3A_619 = tpu.memref_slice %arg3[%min3A_3] : memref<50000xi32, #tpu.memory_space<hbm>> -> memref<1568xi32, #tpu.memory_space<hbm>>
      tpu.enqueue_dma source(%dma_start3A_619 : memref<1568xi32, #tpu.memory_space<hbm>>) target(%arg5 : memref<1568xi32, #tpu.memory_space<vmem>>) target_semaphore(%run_scoped3A : memref<!tpu.dma_semaphore, #tpu.memory_space<semaphore_mem>>)
      %dma_wait3A_620 = tpu.memref_slice %arg3[%min3A_3] : memref<50000xi32, #tpu.memory_space<hbm>> -> memref<1568xi32, #tpu.memory_space<hbm>>
      %dma_wait3A_621 = tpu.memref_slice %arg3[%min3A_3] : memref<50000xi32, #tpu.memory_space<hbm>> -> memref<1568xi32, #tpu.memory_space<hbm>>
      tpu.wait_dma2 semaphore(%run_scoped3A : memref<!tpu.dma_semaphore, #tpu.memory_space<semaphore_mem>>) src(%dma_wait3A_621 : memref<1568xi32, #tpu.memory_space<hbm>>) dst(%arg5 : memref<1568xi32, #tpu.memory_space<vmem>>)
      tpu.yield
    }) : () -> ()
    %dma_start3A = arith.constant 0 : i32
    %dma_start3A_4 = arith.constant 0 : i32
    %dma_start3A_5 = arith.constant 0 : i32
    %dma_start3A_6 = tpu.memref_slice %arg6[%dma_start3A, %dma_start3A_4, %dma_start3A_5] : memref<8x56x128xf32, #tpu.memory_space<vmem>> -> memref<1x56x128xf32, #tpu.memory_space<vmem>>
    %dma_start3A_7 = tpu.memref_squeeze %dma_start3A_6 : memref<1x56x128xf32, #tpu.memory_space<vmem>> -> memref<56x128xf32, #tpu.memory_space<vmem>>
    %dma_start3A_8 = arith.constant 0 : i32
    %dma_start3A_9 = tpu.memref_slice %arg5[%dma_start3A_8] : memref<1568xi32, #tpu.memory_space<vmem>> -> memref<56xi32, #tpu.memory_space<vmem>>
    %dma_start3A_10 = arith.constant 0 : i32
    %dma_start3A_11 = arith.constant 0 : i32
    %dma_start3A_12 = tpu.memref_slice %arg2[%dma_start3A_10, %dma_start3A_11] : memref<100000x128xf32, #tpu.memory_space<hbm>> -> memref<100000x128xf32, #tpu.memory_space<hbm>>
    tpu.enqueue_indirect_dma source(%dma_start3A_12 : memref<100000x128xf32, #tpu.memory_space<hbm>>) target(%dma_start3A_7 : memref<56x128xf32, #tpu.memory_space<vmem>>) offsets(%dma_start3A_9 : memref<56xi32, #tpu.memory_space<vmem>>) semaphore(%arg7 : memref<!tpu.dma_semaphore, #tpu.memory_space<semaphore_mem>>)
    %dma_start3A_13 = arith.constant 1 : i32
    %dma_start3A_14 = arith.constant 0 : i32
    %dma_start3A_15 = arith.constant 0 : i32
    %dma_start3A_16 = tpu.memref_slice %arg6[%dma_start3A_13, %dma_start3A_14, %dma_start3A_15] : memref<8x56x128xf32, #tpu.memory_space<vmem>> -> memref<1x56x128xf32, #tpu.memory_space<vmem>>
    %dma_start3A_17 = tpu.memref_squeeze %dma_start3A_16 : memref<1x56x128xf32, #tpu.memory_space<vmem>> -> memref<56x128xf32, #tpu.memory_space<vmem>>
    %dma_start3A_18 = arith.constant 56 : i32
    %dma_start3A_19 = tpu.memref_slice %arg5[%dma_start3A_18] : memref<1568xi32, #tpu.memory_space<vmem>> -> memref<56xi32, #tpu.memory_space<vmem>>
    %dma_start3A_20 = arith.constant 0 : i32
    %dma_start3A_21 = arith.constant 0 : i32
    %dma_start3A_22 = tpu.memref_slice %arg2[%dma_start3A_20, %dma_start3A_21] : memref<100000x128xf32, #tpu.memory_space<hbm>> -> memref<100000x128xf32, #tpu.memory_space<hbm>>
    tpu.enqueue_indirect_dma source(%dma_start3A_22 : memref<100000x128xf32, #tpu.memory_space<hbm>>) target(%dma_start3A_17 : memref<56x128xf32, #tpu.memory_space<vmem>>) offsets(%dma_start3A_19 : memref<56xi32, #tpu.memory_space<vmem>>) semaphore(%arg8 : memref<!tpu.dma_semaphore, #tpu.memory_space<semaphore_mem>>)
    %dma_start3A_23 = arith.constant 2 : i32
    %dma_start3A_24 = arith.constant 0 : i32
    %dma_start3A_25 = arith.constant 0 : i32
    %dma_start3A_26 = tpu.memref_slice %arg6[%dma_start3A_23, %dma_start3A_24, %dma_start3A_25] : memref<8x56x128xf32, #tpu.memory_space<vmem>> -> memref<1x56x128xf32, #tpu.memory_space<vmem>>
    %dma_start3A_27 = tpu.memref_squeeze %dma_start3A_26 : memref<1x56x128xf32, #tpu.memory_space<vmem>> -> memref<56x128xf32, #tpu.memory_space<vmem>>
    %dma_start3A_28 = arith.constant 112 : i32
    %dma_start3A_29 = tpu.memref_slice %arg5[%dma_start3A_28] : memref<1568xi32, #tpu.memory_space<vmem>> -> memref<56xi32, #tpu.memory_space<vmem>>
    %dma_start3A_30 = arith.constant 0 : i32
    %dma_start3A_31 = arith.constant 0 : i32
    %dma_start3A_32 = tpu.memref_slice %arg2[%dma_start3A_30, %dma_start3A_31] : memref<100000x128xf32, #tpu.memory_space<hbm>> -> memref<100000x128xf32, #tpu.memory_space<hbm>>
    tpu.enqueue_indirect_dma source(%dma_start3A_32 : memref<100000x128xf32, #tpu.memory_space<hbm>>) target(%dma_start3A_27 : memref<56x128xf32, #tpu.memory_space<vmem>>) offsets(%dma_start3A_29 : memref<56xi32, #tpu.memory_space<vmem>>) semaphore(%arg9 : memref<!tpu.dma_semaphore, #tpu.memory_space<semaphore_mem>>)
    %dma_start3A_33 = arith.constant 3 : i32
    %dma_start3A_34 = arith.constant 0 : i32
    %dma_start3A_35 = arith.constant 0 : i32
    %dma_start3A_36 = tpu.memref_slice %arg6[%dma_start3A_33, %dma_start3A_34, %dma_start3A_35] : memref<8x56x128xf32, #tpu.memory_space<vmem>> -> memref<1x56x128xf32, #tpu.memory_space<vmem>>
    %dma_start3A_37 = tpu.memref_squeeze %dma_start3A_36 : memref<1x56x128xf32, #tpu.memory_space<vmem>> -> memref<56x128xf32, #tpu.memory_space<vmem>>
    %dma_start3A_38 = arith.constant 168 : i32
    %dma_start3A_39 = tpu.memref_slice %arg5[%dma_start3A_38] : memref<1568xi32, #tpu.memory_space<vmem>> -> memref<56xi32, #tpu.memory_space<vmem>>
    %dma_start3A_40 = arith.constant 0 : i32
    %dma_start3A_41 = arith.constant 0 : i32
    %dma_start3A_42 = tpu.memref_slice %arg2[%dma_start3A_40, %dma_start3A_41] : memref<100000x128xf32, #tpu.memory_space<hbm>> -> memref<100000x128xf32, #tpu.memory_space<hbm>>
    tpu.enqueue_indirect_dma source(%dma_start3A_42 : memref<100000x128xf32, #tpu.memory_space<hbm>>) target(%dma_start3A_37 : memref<56x128xf32, #tpu.memory_space<vmem>>) offsets(%dma_start3A_39 : memref<56xi32, #tpu.memory_space<vmem>>) semaphore(%arg10 : memref<!tpu.dma_semaphore, #tpu.memory_space<semaphore_mem>>)
    %dma_start3A_43 = arith.constant 4 : i32
    %dma_start3A_44 = arith.constant 0 : i32
    %dma_start3A_45 = arith.constant 0 : i32
    %dma_start3A_46 = tpu.memref_slice %arg6[%dma_start3A_43, %dma_start3A_44, %dma_start3A_45] : memref<8x56x128xf32, #tpu.memory_space<vmem>> -> memref<1x56x128xf32, #tpu.memory_space<vmem>>
    %dma_start3A_47 = tpu.memref_squeeze %dma_start3A_46 : memref<1x56x128xf32, #tpu.memory_space<vmem>> -> memref<56x128xf32, #tpu.memory_space<vmem>>
    %dma_start3A_48 = arith.constant 224 : i32
    %dma_start3A_49 = tpu.memref_slice %arg5[%dma_start3A_48] : memref<1568xi32, #tpu.memory_space<vmem>> -> memref<56xi32, #tpu.memory_space<vmem>>
    %dma_start3A_50 = arith.constant 0 : i32
    %dma_start3A_51 = arith.constant 0 : i32
    %dma_start3A_52 = tpu.memref_slice %arg2[%dma_start3A_50, %dma_start3A_51] : memref<100000x128xf32, #tpu.memory_space<hbm>> -> memref<100000x128xf32, #tpu.memory_space<hbm>>
    tpu.enqueue_indirect_dma source(%dma_start3A_52 : memref<100000x128xf32, #tpu.memory_space<hbm>>) target(%dma_start3A_47 : memref<56x128xf32, #tpu.memory_space<vmem>>) offsets(%dma_start3A_49 : memref<56xi32, #tpu.memory_space<vmem>>) semaphore(%arg11 : memref<!tpu.dma_semaphore, #tpu.memory_space<semaphore_mem>>)
    %dma_start3A_53 = arith.constant 5 : i32
    %dma_start3A_54 = arith.constant 0 : i32
    %dma_start3A_55 = arith.constant 0 : i32
    %dma_start3A_56 = tpu.memref_slice %arg6[%dma_start3A_53, %dma_start3A_54, %dma_start3A_55] : memref<8x56x128xf32, #tpu.memory_space<vmem>> -> memref<1x56x128xf32, #tpu.memory_space<vmem>>
    %dma_start3A_57 = tpu.memref_squeeze %dma_start3A_56 : memref<1x56x128xf32, #tpu.memory_space<vmem>> -> memref<56x128xf32, #tpu.memory_space<vmem>>
    %dma_start3A_58 = arith.constant 280 : i32
    %dma_start3A_59 = tpu.memref_slice %arg5[%dma_start3A_58] : memref<1568xi32, #tpu.memory_space<vmem>> -> memref<56xi32, #tpu.memory_space<vmem>>
    %dma_start3A_60 = arith.constant 0 : i32
    %dma_start3A_61 = arith.constant 0 : i32
    %dma_start3A_62 = tpu.memref_slice %arg2[%dma_start3A_60, %dma_start3A_61] : memref<100000x128xf32, #tpu.memory_space<hbm>> -> memref<100000x128xf32, #tpu.memory_space<hbm>>
    tpu.enqueue_indirect_dma source(%dma_start3A_62 : memref<100000x128xf32, #tpu.memory_space<hbm>>) target(%dma_start3A_57 : memref<56x128xf32, #tpu.memory_space<vmem>>) offsets(%dma_start3A_59 : memref<56xi32, #tpu.memory_space<vmem>>) semaphore(%arg12 : memref<!tpu.dma_semaphore, #tpu.memory_space<semaphore_mem>>)
    %dma_start3A_63 = arith.constant 6 : i32
    %dma_start3A_64 = arith.constant 0 : i32
    %dma_start3A_65 = arith.constant 0 : i32
    %dma_start3A_66 = tpu.memref_slice %arg6[%dma_start3A_63, %dma_start3A_64, %dma_start3A_65] : memref<8x56x128xf32, #tpu.memory_space<vmem>> -> memref<1x56x128xf32, #tpu.memory_space<vmem>>
    %dma_start3A_67 = tpu.memref_squeeze %dma_start3A_66 : memref<1x56x128xf32, #tpu.memory_space<vmem>> -> memref<56x128xf32, #tpu.memory_space<vmem>>
    %dma_start3A_68 = arith.constant 336 : i32
    %dma_start3A_69 = tpu.memref_slice %arg5[%dma_start3A_68] : memref<1568xi32, #tpu.memory_space<vmem>> -> memref<56xi32, #tpu.memory_space<vmem>>
    %dma_start3A_70 = arith.constant 0 : i32
    %dma_start3A_71 = arith.constant 0 : i32
    %dma_start3A_72 = tpu.memref_slice %arg2[%dma_start3A_70, %dma_start3A_71] : memref<100000x128xf32, #tpu.memory_space<hbm>> -> memref<100000x128xf32, #tpu.memory_space<hbm>>
    tpu.enqueue_indirect_dma source(%dma_start3A_72 : memref<100000x128xf32, #tpu.memory_space<hbm>>) target(%dma_start3A_67 : memref<56x128xf32, #tpu.memory_space<vmem>>) offsets(%dma_start3A_69 : memref<56xi32, #tpu.memory_space<vmem>>) semaphore(%arg13 : memref<!tpu.dma_semaphore, #tpu.memory_space<semaphore_mem>>)
    %dma_start3A_73 = arith.constant 7 : i32
    %dma_start3A_74 = arith.constant 0 : i32
    %dma_start3A_75 = arith.constant 0 : i32
    %dma_start3A_76 = tpu.memref_slice %arg6[%dma_start3A_73, %dma_start3A_74, %dma_start3A_75] : memref<8x56x128xf32, #tpu.memory_space<vmem>> -> memref<1x56x128xf32, #tpu.memory_space<vmem>>
    %dma_start3A_77 = tpu.memref_squeeze %dma_start3A_76 : memref<1x56x128xf32, #tpu.memory_space<vmem>> -> memref<56x128xf32, #tpu.memory_space<vmem>>
    %dma_start3A_78 = arith.constant 392 : i32
    %dma_start3A_79 = tpu.memref_slice %arg5[%dma_start3A_78] : memref<1568xi32, #tpu.memory_space<vmem>> -> memref<56xi32, #tpu.memory_space<vmem>>
    %dma_start3A_80 = arith.constant 0 : i32
    %dma_start3A_81 = arith.constant 0 : i32
    %dma_start3A_82 = tpu.memref_slice %arg2[%dma_start3A_80, %dma_start3A_81] : memref<100000x128xf32, #tpu.memory_space<hbm>> -> memref<100000x128xf32, #tpu.memory_space<hbm>>
    tpu.enqueue_indirect_dma source(%dma_start3A_82 : memref<100000x128xf32, #tpu.memory_space<hbm>>) target(%dma_start3A_77 : memref<56x128xf32, #tpu.memory_space<vmem>>) offsets(%dma_start3A_79 : memref<56xi32, #tpu.memory_space<vmem>>) semaphore(%arg14 : memref<!tpu.dma_semaphore, #tpu.memory_space<semaphore_mem>>)
    %dma_wait3A = arith.constant 0 : i32
    %dma_wait3A_83 = arith.constant 0 : i32
    %dma_wait3A_84 = arith.constant 0 : i32
    %dma_wait3A_85 = tpu.memref_slice %arg6[%dma_wait3A, %dma_wait3A_83, %dma_wait3A_84] : memref<8x56x128xf32, #tpu.memory_space<vmem>> -> memref<1x56x128xf32, #tpu.memory_space<vmem>>
    %dma_wait3A_86 = tpu.memref_squeeze %dma_wait3A_85 : memref<1x56x128xf32, #tpu.memory_space<vmem>> -> memref<56x128xf32, #tpu.memory_space<vmem>>
    %dma_wait3A_87 = arith.constant 0 : i32
    %dma_wait3A_88 = tpu.memref_slice %arg4[%min3A_3, %dma_wait3A_87] : memref<50000x128xf32, #tpu.memory_space<hbm>> -> memref<56x128xf32, #tpu.memory_space<hbm>>
    %dma_wait3A_89 = arith.constant 0 : i32
    %dma_wait3A_90 = arith.constant 0 : i32
    %dma_wait3A_91 = tpu.memref_slice %arg6[%dma_wait3A, %dma_wait3A_89, %dma_wait3A_90] : memref<8x56x128xf32, #tpu.memory_space<vmem>> -> memref<1x56x128xf32, #tpu.memory_space<vmem>>
    %dma_wait3A_92 = tpu.memref_squeeze %dma_wait3A_91 : memref<1x56x128xf32, #tpu.memory_space<vmem>> -> memref<56x128xf32, #tpu.memory_space<vmem>>
    %dma_wait3A_93 = arith.constant 0 : i32
    %dma_wait3A_94 = tpu.memref_slice %arg4[%min3A_3, %dma_wait3A_93] : memref<50000x128xf32, #tpu.memory_space<hbm>> -> memref<56x128xf32, #tpu.memory_space<hbm>>
    tpu.wait_dma2 semaphore(%arg7 : memref<!tpu.dma_semaphore, #tpu.memory_space<semaphore_mem>>) src(%dma_wait3A_94 : memref<56x128xf32, #tpu.memory_space<hbm>>) dst(%dma_wait3A_92 : memref<56x128xf32, #tpu.memory_space<vmem>>)
    %add3A_95 = arith.constant 0 : i32
    %add3A_96 = arith.addi %min3A_3, %add3A_95 : i32
    %dma_start3A_97 = arith.constant 0 : i32
    %dma_start3A_98 = arith.constant 0 : i32
    %dma_start3A_99 = arith.constant 0 : i32
    %dma_start3A_100 = tpu.memref_slice %arg6[%dma_start3A_97, %dma_start3A_98, %dma_start3A_99] : memref<8x56x128xf32, #tpu.memory_space<vmem>> -> memref<1x56x128xf32, #tpu.memory_space<vmem>>
    %dma_start3A_101 = tpu.memref_squeeze %dma_start3A_100 : memref<1x56x128xf32, #tpu.memory_space<vmem>> -> memref<56x128xf32, #tpu.memory_space<vmem>>
    %dma_start3A_102 = arith.constant 0 : i32
    %dma_start3A_103 = tpu.memref_slice %arg4[%add3A_96, %dma_start3A_102] : memref<50000x128xf32, #tpu.memory_space<hbm>> -> memref<56x128xf32, #tpu.memory_space<hbm>>
    %dma_start3A_104 = arith.constant 0 : i32
    %dma_start3A_105 = tpu.memref_slice %arg4[%add3A_96, %dma_start3A_104] : memref<50000x128xf32, #tpu.memory_space<hbm>> -> memref<56x128xf32, #tpu.memory_space<hbm>>
    %dma_start3A_106 = arith.constant 0 : i32
    %dma_start3A_107 = arith.constant 0 : i32
    %dma_start3A_108 = tpu.memref_slice %arg6[%dma_start3A_97, %dma_start3A_106, %dma_start3A_107] : memref<8x56x128xf32, #tpu.memory_space<vmem>> -> memref<1x56x128xf32, #tpu.memory_space<vmem>>
    %dma_start3A_109 = tpu.memref_squeeze %dma_start3A_108 : memref<1x56x128xf32, #tpu.memory_space<vmem>> -> memref<56x128xf32, #tpu.memory_space<vmem>>
    tpu.enqueue_dma source(%dma_start3A_109 : memref<56x128xf32, #tpu.memory_space<vmem>>) target(%dma_start3A_105 : memref<56x128xf32, #tpu.memory_space<hbm>>) target_semaphore(%arg15 : memref<!tpu.dma_semaphore, #tpu.memory_space<semaphore_mem>>)
    %scan3A = arith.constant 0 : i32
    %scan3A_110 = arith.constant 2 : i32
    %scan3A_111 = arith.addi %scan3A, %scan3A_110 : i32
    %scan3A_112 = arith.constant 1 : i32
    scf.for %scan3A_618 = %scan3A to %scan3A_111 step %scan3A_112  : i32 {
      %mul3A_619 = arith.constant 8 : i32
      %mul3A_620 = arith.muli %scan3A_618, %mul3A_619 : i32
      %add3A_621 = arith.constant 8 : i32
      %add3A_622 = arith.addi %add3A_621, %mul3A_620 : i32
      %add3A_623 = arith.constant 0 : i32
      %add3A_624 = arith.addi %add3A_622, %add3A_623 : i32
      %dma_wait3A_625 = arith.constant 0 : i32
      %dma_wait3A_626 = arith.constant 0 : i32
      %dma_wait3A_627 = arith.constant 0 : i32
      %dma_wait3A_628 = tpu.memref_slice %arg6[%dma_wait3A_625, %dma_wait3A_626, %dma_wait3A_627] : memref<8x56x128xf32, #tpu.memory_space<vmem>> -> memref<1x56x128xf32, #tpu.memory_space<vmem>>
      %dma_wait3A_629 = tpu.memref_squeeze %dma_wait3A_628 : memref<1x56x128xf32, #tpu.memory_space<vmem>> -> memref<56x128xf32, #tpu.memory_space<vmem>>
      %dma_wait3A_630 = arith.constant 0 : i32
      %dma_wait3A_631 = tpu.memref_slice %arg4[%min3A_3, %dma_wait3A_630] : memref<50000x128xf32, #tpu.memory_space<hbm>> -> memref<56x128xf32, #tpu.memory_space<hbm>>
      %dma_wait3A_632 = arith.constant 0 : i32
      %dma_wait3A_633 = tpu.memref_slice %arg4[%min3A_3, %dma_wait3A_632] : memref<50000x128xf32, #tpu.memory_space<hbm>> -> memref<56x128xf32, #tpu.memory_space<hbm>>
      %dma_wait3A_634 = arith.constant 0 : i32
      %dma_wait3A_635 = arith.constant 0 : i32
      %dma_wait3A_636 = tpu.memref_slice %arg6[%dma_wait3A_625, %dma_wait3A_634, %dma_wait3A_635] : memref<8x56x128xf32, #tpu.memory_space<vmem>> -> memref<1x56x128xf32, #tpu.memory_space<vmem>>
      %dma_wait3A_637 = tpu.memref_squeeze %dma_wait3A_636 : memref<1x56x128xf32, #tpu.memory_space<vmem>> -> memref<56x128xf32, #tpu.memory_space<vmem>>
      tpu.wait_dma2 semaphore(%arg15 : memref<!tpu.dma_semaphore, #tpu.memory_space<semaphore_mem>>) src(%dma_wait3A_637 : memref<56x128xf32, #tpu.memory_space<vmem>>) dst(%dma_wait3A_633 : memref<56x128xf32, #tpu.memory_space<hbm>>)
      %mul3A_638 = arith.constant 56 : i32
      %mul3A_639 = arith.muli %add3A_624, %mul3A_638 : i32
      %dma_start3A_640 = arith.constant 0 : i32
      %dma_start3A_641 = arith.constant 0 : i32
      %dma_start3A_642 = arith.constant 0 : i32
      %dma_start3A_643 = tpu.memref_slice %arg6[%dma_start3A_640, %dma_start3A_641, %dma_start3A_642] : memref<8x56x128xf32, #tpu.memory_space<vmem>> -> memref<1x56x128xf32, #tpu.memory_space<vmem>>
      %dma_start3A_644 = tpu.memref_squeeze %dma_start3A_643 : memref<1x56x128xf32, #tpu.memory_space<vmem>> -> memref<56x128xf32, #tpu.memory_space<vmem>>
      %dma_start3A_645 = tpu.memref_slice %arg5[%mul3A_639] : memref<1568xi32, #tpu.memory_space<vmem>> -> memref<56xi32, #tpu.memory_space<vmem>>
      %dma_start3A_646 = arith.constant 0 : i32
      %dma_start3A_647 = arith.constant 0 : i32
      %dma_start3A_648 = tpu.memref_slice %arg2[%dma_start3A_646, %dma_start3A_647] : memref<100000x128xf32, #tpu.memory_space<hbm>> -> memref<100000x128xf32, #tpu.memory_space<hbm>>
      tpu.enqueue_indirect_dma source(%dma_start3A_648 : memref<100000x128xf32, #tpu.memory_space<hbm>>) target(%dma_start3A_644 : memref<56x128xf32, #tpu.memory_space<vmem>>) offsets(%dma_start3A_645 : memref<56xi32, #tpu.memory_space<vmem>>) semaphore(%arg7 : memref<!tpu.dma_semaphore, #tpu.memory_space<semaphore_mem>>)
      %dma_wait3A_649 = arith.constant 1 : i32
      %dma_wait3A_650 = arith.constant 0 : i32
      %dma_wait3A_651 = arith.constant 0 : i32
      %dma_wait3A_652 = tpu.memref_slice %arg6[%dma_wait3A_649, %dma_wait3A_650, %dma_wait3A_651] : memref<8x56x128xf32, #tpu.memory_space<vmem>> -> memref<1x56x128xf32, #tpu.memory_space<vmem>>
      %dma_wait3A_653 = tpu.memref_squeeze %dma_wait3A_652 : memref<1x56x128xf32, #tpu.memory_space<vmem>> -> memref<56x128xf32, #tpu.memory_space<vmem>>
      %dma_wait3A_654 = arith.constant 0 : i32
      %dma_wait3A_655 = tpu.memref_slice %arg4[%min3A_3, %dma_wait3A_654] : memref<50000x128xf32, #tpu.memory_space<hbm>> -> memref<56x128xf32, #tpu.memory_space<hbm>>
      %dma_wait3A_656 = arith.constant 0 : i32
      %dma_wait3A_657 = arith.constant 0 : i32
      %dma_wait3A_658 = tpu.memref_slice %arg6[%dma_wait3A_649, %dma_wait3A_656, %dma_wait3A_657] : memref<8x56x128xf32, #tpu.memory_space<vmem>> -> memref<1x56x128xf32, #tpu.memory_space<vmem>>
      %dma_wait3A_659 = tpu.memref_squeeze %dma_wait3A_658 : memref<1x56x128xf32, #tpu.memory_space<vmem>> -> memref<56x128xf32, #tpu.memory_space<vmem>>
      %dma_wait3A_660 = arith.constant 0 : i32
      %dma_wait3A_661 = tpu.memref_slice %arg4[%min3A_3, %dma_wait3A_660] : memref<50000x128xf32, #tpu.memory_space<hbm>> -> memref<56x128xf32, #tpu.memory_space<hbm>>
      tpu.wait_dma2 semaphore(%arg8 : memref<!tpu.dma_semaphore, #tpu.memory_space<semaphore_mem>>) src(%dma_wait3A_661 : memref<56x128xf32, #tpu.memory_space<hbm>>) dst(%dma_wait3A_659 : memref<56x128xf32, #tpu.memory_space<vmem>>)
      %sub3A = arith.constant 7 : i32
      %sub3A_662 = arith.subi %add3A_624, %sub3A : i32
      %mul3A_663 = arith.constant 56 : i32
      %mul3A_664 = arith.muli %sub3A_662, %mul3A_663 : i32
      %add3A_665 = arith.addi %min3A_3, %mul3A_664 : i32
      %dma_start3A_666 = arith.constant 1 : i32
      %dma_start3A_667 = arith.constant 0 : i32
      %dma_start3A_668 = arith.constant 0 : i32
      %dma_start3A_669 = tpu.memref_slice %arg6[%dma_start3A_666, %dma_start3A_667, %dma_start3A_668] : memref<8x56x128xf32, #tpu.memory_space<vmem>> -> memref<1x56x128xf32, #tpu.memory_space<vmem>>
      %dma_start3A_670 = tpu.memref_squeeze %dma_start3A_669 : memref<1x56x128xf32, #tpu.memory_space<vmem>> -> memref<56x128xf32, #tpu.memory_space<vmem>>
      %dma_start3A_671 = arith.constant 0 : i32
      %dma_start3A_672 = tpu.memref_slice %arg4[%add3A_665, %dma_start3A_671] : memref<50000x128xf32, #tpu.memory_space<hbm>> -> memref<56x128xf32, #tpu.memory_space<hbm>>
      %dma_start3A_673 = arith.constant 0 : i32
      %dma_start3A_674 = tpu.memref_slice %arg4[%add3A_665, %dma_start3A_673] : memref<50000x128xf32, #tpu.memory_space<hbm>> -> memref<56x128xf32, #tpu.memory_space<hbm>>
      %dma_start3A_675 = arith.constant 0 : i32
      %dma_start3A_676 = arith.constant 0 : i32
      %dma_start3A_677 = tpu.memref_slice %arg6[%dma_start3A_666, %dma_start3A_675, %dma_start3A_676] : memref<8x56x128xf32, #tpu.memory_space<vmem>> -> memref<1x56x128xf32, #tpu.memory_space<vmem>>
      %dma_start3A_678 = tpu.memref_squeeze %dma_start3A_677 : memref<1x56x128xf32, #tpu.memory_space<vmem>> -> memref<56x128xf32, #tpu.memory_space<vmem>>
      tpu.enqueue_dma source(%dma_start3A_678 : memref<56x128xf32, #tpu.memory_space<vmem>>) target(%dma_start3A_674 : memref<56x128xf32, #tpu.memory_space<hbm>>) target_semaphore(%arg16 : memref<!tpu.dma_semaphore, #tpu.memory_space<semaphore_mem>>)
      %add3A_679 = arith.constant 1 : i32
      %add3A_680 = arith.addi %add3A_622, %add3A_679 : i32
      %dma_wait3A_681 = arith.constant 1 : i32
      %dma_wait3A_682 = arith.constant 0 : i32
      %dma_wait3A_683 = arith.constant 0 : i32
      %dma_wait3A_684 = tpu.memref_slice %arg6[%dma_wait3A_681, %dma_wait3A_682, %dma_wait3A_683] : memref<8x56x128xf32, #tpu.memory_space<vmem>> -> memref<1x56x128xf32, #tpu.memory_space<vmem>>
      %dma_wait3A_685 = tpu.memref_squeeze %dma_wait3A_684 : memref<1x56x128xf32, #tpu.memory_space<vmem>> -> memref<56x128xf32, #tpu.memory_space<vmem>>
      %dma_wait3A_686 = arith.constant 0 : i32
      %dma_wait3A_687 = tpu.memref_slice %arg4[%min3A_3, %dma_wait3A_686] : memref<50000x128xf32, #tpu.memory_space<hbm>> -> memref<56x128xf32, #tpu.memory_space<hbm>>
      %dma_wait3A_688 = arith.constant 0 : i32
      %dma_wait3A_689 = tpu.memref_slice %arg4[%min3A_3, %dma_wait3A_688] : memref<50000x128xf32, #tpu.memory_space<hbm>> -> memref<56x128xf32, #tpu.memory_space<hbm>>
      %dma_wait3A_690 = arith.constant 0 : i32
      %dma_wait3A_691 = arith.constant 0 : i32
      %dma_wait3A_692 = tpu.memref_slice %arg6[%dma_wait3A_681, %dma_wait3A_690, %dma_wait3A_691] : memref<8x56x128xf32, #tpu.memory_space<vmem>> -> memref<1x56x128xf32, #tpu.memory_space<vmem>>
      %dma_wait3A_693 = tpu.memref_squeeze %dma_wait3A_692 : memref<1x56x128xf32, #tpu.memory_space<vmem>> -> memref<56x128xf32, #tpu.memory_space<vmem>>
      tpu.wait_dma2 semaphore(%arg16 : memref<!tpu.dma_semaphore, #tpu.memory_space<semaphore_mem>>) src(%dma_wait3A_693 : memref<56x128xf32, #tpu.memory_space<vmem>>) dst(%dma_wait3A_689 : memref<56x128xf32, #tpu.memory_space<hbm>>)
      %mul3A_694 = arith.constant 56 : i32
      %mul3A_695 = arith.muli %add3A_680, %mul3A_694 : i32
      %dma_start3A_696 = arith.constant 1 : i32
      %dma_start3A_697 = arith.constant 0 : i32
      %dma_start3A_698 = arith.constant 0 : i32
      %dma_start3A_699 = tpu.memref_slice %arg6[%dma_start3A_696, %dma_start3A_697, %dma_start3A_698] : memref<8x56x128xf32, #tpu.memory_space<vmem>> -> memref<1x56x128xf32, #tpu.memory_space<vmem>>
      %dma_start3A_700 = tpu.memref_squeeze %dma_start3A_699 : memref<1x56x128xf32, #tpu.memory_space<vmem>> -> memref<56x128xf32, #tpu.memory_space<vmem>>
      %dma_start3A_701 = tpu.memref_slice %arg5[%mul3A_695] : memref<1568xi32, #tpu.memory_space<vmem>> -> memref<56xi32, #tpu.memory_space<vmem>>
      %dma_start3A_702 = arith.constant 0 : i32
      %dma_start3A_703 = arith.constant 0 : i32
      %dma_start3A_704 = tpu.memref_slice %arg2[%dma_start3A_702, %dma_start3A_703] : memref<100000x128xf32, #tpu.memory_space<hbm>> -> memref<100000x128xf32, #tpu.memory_space<hbm>>
      tpu.enqueue_indirect_dma source(%dma_start3A_704 : memref<100000x128xf32, #tpu.memory_space<hbm>>) target(%dma_start3A_700 : memref<56x128xf32, #tpu.memory_space<vmem>>) offsets(%dma_start3A_701 : memref<56xi32, #tpu.memory_space<vmem>>) semaphore(%arg8 : memref<!tpu.dma_semaphore, #tpu.memory_space<semaphore_mem>>)
      %dma_wait3A_705 = arith.constant 2 : i32
      %dma_wait3A_706 = arith.constant 0 : i32
      %dma_wait3A_707 = arith.constant 0 : i32
      %dma_wait3A_708 = tpu.memref_slice %arg6[%dma_wait3A_705, %dma_wait3A_706, %dma_wait3A_707] : memref<8x56x128xf32, #tpu.memory_space<vmem>> -> memref<1x56x128xf32, #tpu.memory_space<vmem>>
      %dma_wait3A_709 = tpu.memref_squeeze %dma_wait3A_708 : memref<1x56x128xf32, #tpu.memory_space<vmem>> -> memref<56x128xf32, #tpu.memory_space<vmem>>
      %dma_wait3A_710 = arith.constant 0 : i32
      %dma_wait3A_711 = tpu.memref_slice %arg4[%min3A_3, %dma_wait3A_710] : memref<50000x128xf32, #tpu.memory_space<hbm>> -> memref<56x128xf32, #tpu.memory_space<hbm>>
      %dma_wait3A_712 = arith.constant 0 : i32
      %dma_wait3A_713 = arith.constant 0 : i32
      %dma_wait3A_714 = tpu.memref_slice %arg6[%dma_wait3A_705, %dma_wait3A_712, %dma_wait3A_713] : memref<8x56x128xf32, #tpu.memory_space<vmem>> -> memref<1x56x128xf32, #tpu.memory_space<vmem>>
      %dma_wait3A_715 = tpu.memref_squeeze %dma_wait3A_714 : memref<1x56x128xf32, #tpu.memory_space<vmem>> -> memref<56x128xf32, #tpu.memory_space<vmem>>
      %dma_wait3A_716 = arith.constant 0 : i32
      %dma_wait3A_717 = tpu.memref_slice %arg4[%min3A_3, %dma_wait3A_716] : memref<50000x128xf32, #tpu.memory_space<hbm>> -> memref<56x128xf32, #tpu.memory_space<hbm>>
      tpu.wait_dma2 semaphore(%arg9 : memref<!tpu.dma_semaphore, #tpu.memory_space<semaphore_mem>>) src(%dma_wait3A_717 : memref<56x128xf32, #tpu.memory_space<hbm>>) dst(%dma_wait3A_715 : memref<56x128xf32, #tpu.memory_space<vmem>>)
      %sub3A_718 = arith.constant 7 : i32
      %sub3A_719 = arith.subi %add3A_680, %sub3A_718 : i32
      %mul3A_720 = arith.constant 56 : i32
      %mul3A_721 = arith.muli %sub3A_719, %mul3A_720 : i32
      %add3A_722 = arith.addi %min3A_3, %mul3A_721 : i32
      %dma_start3A_723 = arith.constant 2 : i32
      %dma_start3A_724 = arith.constant 0 : i32
      %dma_start3A_725 = arith.constant 0 : i32
      %dma_start3A_726 = tpu.memref_slice %arg6[%dma_start3A_723, %dma_start3A_724, %dma_start3A_725] : memref<8x56x128xf32, #tpu.memory_space<vmem>> -> memref<1x56x128xf32, #tpu.memory_space<vmem>>
      %dma_start3A_727 = tpu.memref_squeeze %dma_start3A_726 : memref<1x56x128xf32, #tpu.memory_space<vmem>> -> memref<56x128xf32, #tpu.memory_space<vmem>>
      %dma_start3A_728 = arith.constant 0 : i32
      %dma_start3A_729 = tpu.memref_slice %arg4[%add3A_722, %dma_start3A_728] : memref<50000x128xf32, #tpu.memory_space<hbm>> -> memref<56x128xf32, #tpu.memory_space<hbm>>
      %dma_start3A_730 = arith.constant 0 : i32
      %dma_start3A_731 = tpu.memref_slice %arg4[%add3A_722, %dma_start3A_730] : memref<50000x128xf32, #tpu.memory_space<hbm>> -> memref<56x128xf32, #tpu.memory_space<hbm>>
      %dma_start3A_732 = arith.constant 0 : i32
      %dma_start3A_733 = arith.constant 0 : i32
      %dma_start3A_734 = tpu.memref_slice %arg6[%dma_start3A_723, %dma_start3A_732, %dma_start3A_733] : memref<8x56x128xf32, #tpu.memory_space<vmem>> -> memref<1x56x128xf32, #tpu.memory_space<vmem>>
      %dma_start3A_735 = tpu.memref_squeeze %dma_start3A_734 : memref<1x56x128xf32, #tpu.memory_space<vmem>> -> memref<56x128xf32, #tpu.memory_space<vmem>>
      tpu.enqueue_dma source(%dma_start3A_735 : memref<56x128xf32, #tpu.memory_space<vmem>>) target(%dma_start3A_731 : memref<56x128xf32, #tpu.memory_space<hbm>>) target_semaphore(%arg17 : memref<!tpu.dma_semaphore, #tpu.memory_space<semaphore_mem>>)
      %add3A_736 = arith.constant 2 : i32
      %add3A_737 = arith.addi %add3A_622, %add3A_736 : i32
      %dma_wait3A_738 = arith.constant 2 : i32
      %dma_wait3A_739 = arith.constant 0 : i32
      %dma_wait3A_740 = arith.constant 0 : i32
      %dma_wait3A_741 = tpu.memref_slice %arg6[%dma_wait3A_738, %dma_wait3A_739, %dma_wait3A_740] : memref<8x56x128xf32, #tpu.memory_space<vmem>> -> memref<1x56x128xf32, #tpu.memory_space<vmem>>
      %dma_wait3A_742 = tpu.memref_squeeze %dma_wait3A_741 : memref<1x56x128xf32, #tpu.memory_space<vmem>> -> memref<56x128xf32, #tpu.memory_space<vmem>>
      %dma_wait3A_743 = arith.constant 0 : i32
      %dma_wait3A_744 = tpu.memref_slice %arg4[%min3A_3, %dma_wait3A_743] : memref<50000x128xf32, #tpu.memory_space<hbm>> -> memref<56x128xf32, #tpu.memory_space<hbm>>
      %dma_wait3A_745 = arith.constant 0 : i32
      %dma_wait3A_746 = tpu.memref_slice %arg4[%min3A_3, %dma_wait3A_745] : memref<50000x128xf32, #tpu.memory_space<hbm>> -> memref<56x128xf32, #tpu.memory_space<hbm>>
      %dma_wait3A_747 = arith.constant 0 : i32
      %dma_wait3A_748 = arith.constant 0 : i32
      %dma_wait3A_749 = tpu.memref_slice %arg6[%dma_wait3A_738, %dma_wait3A_747, %dma_wait3A_748] : memref<8x56x128xf32, #tpu.memory_space<vmem>> -> memref<1x56x128xf32, #tpu.memory_space<vmem>>
      %dma_wait3A_750 = tpu.memref_squeeze %dma_wait3A_749 : memref<1x56x128xf32, #tpu.memory_space<vmem>> -> memref<56x128xf32, #tpu.memory_space<vmem>>
      tpu.wait_dma2 semaphore(%arg17 : memref<!tpu.dma_semaphore, #tpu.memory_space<semaphore_mem>>) src(%dma_wait3A_750 : memref<56x128xf32, #tpu.memory_space<vmem>>) dst(%dma_wait3A_746 : memref<56x128xf32, #tpu.memory_space<hbm>>)
      %mul3A_751 = arith.constant 56 : i32
      %mul3A_752 = arith.muli %add3A_737, %mul3A_751 : i32
      %dma_start3A_753 = arith.constant 2 : i32
      %dma_start3A_754 = arith.constant 0 : i32
      %dma_start3A_755 = arith.constant 0 : i32
      %dma_start3A_756 = tpu.memref_slice %arg6[%dma_start3A_753, %dma_start3A_754, %dma_start3A_755] : memref<8x56x128xf32, #tpu.memory_space<vmem>> -> memref<1x56x128xf32, #tpu.memory_space<vmem>>
      %dma_start3A_757 = tpu.memref_squeeze %dma_start3A_756 : memref<1x56x128xf32, #tpu.memory_space<vmem>> -> memref<56x128xf32, #tpu.memory_space<vmem>>
      %dma_start3A_758 = tpu.memref_slice %arg5[%mul3A_752] : memref<1568xi32, #tpu.memory_space<vmem>> -> memref<56xi32, #tpu.memory_space<vmem>>
      %dma_start3A_759 = arith.constant 0 : i32
      %dma_start3A_760 = arith.constant 0 : i32
      %dma_start3A_761 = tpu.memref_slice %arg2[%dma_start3A_759, %dma_start3A_760] : memref<100000x128xf32, #tpu.memory_space<hbm>> -> memref<100000x128xf32, #tpu.memory_space<hbm>>
      tpu.enqueue_indirect_dma source(%dma_start3A_761 : memref<100000x128xf32, #tpu.memory_space<hbm>>) target(%dma_start3A_757 : memref<56x128xf32, #tpu.memory_space<vmem>>) offsets(%dma_start3A_758 : memref<56xi32, #tpu.memory_space<vmem>>) semaphore(%arg9 : memref<!tpu.dma_semaphore, #tpu.memory_space<semaphore_mem>>)
      %dma_wait3A_762 = arith.constant 3 : i32
      %dma_wait3A_763 = arith.constant 0 : i32
      %dma_wait3A_764 = arith.constant 0 : i32
      %dma_wait3A_765 = tpu.memref_slice %arg6[%dma_wait3A_762, %dma_wait3A_763, %dma_wait3A_764] : memref<8x56x128xf32, #tpu.memory_space<vmem>> -> memref<1x56x128xf32, #tpu.memory_space<vmem>>
      %dma_wait3A_766 = tpu.memref_squeeze %dma_wait3A_765 : memref<1x56x128xf32, #tpu.memory_space<vmem>> -> memref<56x128xf32, #tpu.memory_space<vmem>>
      %dma_wait3A_767 = arith.constant 0 : i32
      %dma_wait3A_768 = tpu.memref_slice %arg4[%min3A_3, %dma_wait3A_767] : memref<50000x128xf32, #tpu.memory_space<hbm>> -> memref<56x128xf32, #tpu.memory_space<hbm>>
      %dma_wait3A_769 = arith.constant 0 : i32
      %dma_wait3A_770 = arith.constant 0 : i32
      %dma_wait3A_771 = tpu.memref_slice %arg6[%dma_wait3A_762, %dma_wait3A_769, %dma_wait3A_770] : memref<8x56x128xf32, #tpu.memory_space<vmem>> -> memref<1x56x128xf32, #tpu.memory_space<vmem>>
      %dma_wait3A_772 = tpu.memref_squeeze %dma_wait3A_771 : memref<1x56x128xf32, #tpu.memory_space<vmem>> -> memref<56x128xf32, #tpu.memory_space<vmem>>
      %dma_wait3A_773 = arith.constant 0 : i32
      %dma_wait3A_774 = tpu.memref_slice %arg4[%min3A_3, %dma_wait3A_773] : memref<50000x128xf32, #tpu.memory_space<hbm>> -> memref<56x128xf32, #tpu.memory_space<hbm>>
      tpu.wait_dma2 semaphore(%arg10 : memref<!tpu.dma_semaphore, #tpu.memory_space<semaphore_mem>>) src(%dma_wait3A_774 : memref<56x128xf32, #tpu.memory_space<hbm>>) dst(%dma_wait3A_772 : memref<56x128xf32, #tpu.memory_space<vmem>>)
      %sub3A_775 = arith.constant 7 : i32
      %sub3A_776 = arith.subi %add3A_737, %sub3A_775 : i32
      %mul3A_777 = arith.constant 56 : i32
      %mul3A_778 = arith.muli %sub3A_776, %mul3A_777 : i32
      %add3A_779 = arith.addi %min3A_3, %mul3A_778 : i32
      %dma_start3A_780 = arith.constant 3 : i32
      %dma_start3A_781 = arith.constant 0 : i32
      %dma_start3A_782 = arith.constant 0 : i32
      %dma_start3A_783 = tpu.memref_slice %arg6[%dma_start3A_780, %dma_start3A_781, %dma_start3A_782] : memref<8x56x128xf32, #tpu.memory_space<vmem>> -> memref<1x56x128xf32, #tpu.memory_space<vmem>>
      %dma_start3A_784 = tpu.memref_squeeze %dma_start3A_783 : memref<1x56x128xf32, #tpu.memory_space<vmem>> -> memref<56x128xf32, #tpu.memory_space<vmem>>
      %dma_start3A_785 = arith.constant 0 : i32
      %dma_start3A_786 = tpu.memref_slice %arg4[%add3A_779, %dma_start3A_785] : memref<50000x128xf32, #tpu.memory_space<hbm>> -> memref<56x128xf32, #tpu.memory_space<hbm>>
      %dma_start3A_787 = arith.constant 0 : i32
      %dma_start3A_788 = tpu.memref_slice %arg4[%add3A_779, %dma_start3A_787] : memref<50000x128xf32, #tpu.memory_space<hbm>> -> memref<56x128xf32, #tpu.memory_space<hbm>>
      %dma_start3A_789 = arith.constant 0 : i32
      %dma_start3A_790 = arith.constant 0 : i32
      %dma_start3A_791 = tpu.memref_slice %arg6[%dma_start3A_780, %dma_start3A_789, %dma_start3A_790] : memref<8x56x128xf32, #tpu.memory_space<vmem>> -> memref<1x56x128xf32, #tpu.memory_space<vmem>>
      %dma_start3A_792 = tpu.memref_squeeze %dma_start3A_791 : memref<1x56x128xf32, #tpu.memory_space<vmem>> -> memref<56x128xf32, #tpu.memory_space<vmem>>
      tpu.enqueue_dma source(%dma_start3A_792 : memref<56x128xf32, #tpu.memory_space<vmem>>) target(%dma_start3A_788 : memref<56x128xf32, #tpu.memory_space<hbm>>) target_semaphore(%arg18 : memref<!tpu.dma_semaphore, #tpu.memory_space<semaphore_mem>>)
      %add3A_793 = arith.constant 3 : i32
      %add3A_794 = arith.addi %add3A_622, %add3A_793 : i32
      %dma_wait3A_795 = arith.constant 3 : i32
      %dma_wait3A_796 = arith.constant 0 : i32
      %dma_wait3A_797 = arith.constant 0 : i32
      %dma_wait3A_798 = tpu.memref_slice %arg6[%dma_wait3A_795, %dma_wait3A_796, %dma_wait3A_797] : memref<8x56x128xf32, #tpu.memory_space<vmem>> -> memref<1x56x128xf32, #tpu.memory_space<vmem>>
      %dma_wait3A_799 = tpu.memref_squeeze %dma_wait3A_798 : memref<1x56x128xf32, #tpu.memory_space<vmem>> -> memref<56x128xf32, #tpu.memory_space<vmem>>
      %dma_wait3A_800 = arith.constant 0 : i32
      %dma_wait3A_801 = tpu.memref_slice %arg4[%min3A_3, %dma_wait3A_800] : memref<50000x128xf32, #tpu.memory_space<hbm>> -> memref<56x128xf32, #tpu.memory_space<hbm>>
      %dma_wait3A_802 = arith.constant 0 : i32
      %dma_wait3A_803 = tpu.memref_slice %arg4[%min3A_3, %dma_wait3A_802] : memref<50000x128xf32, #tpu.memory_space<hbm>> -> memref<56x128xf32, #tpu.memory_space<hbm>>
      %dma_wait3A_804 = arith.constant 0 : i32
      %dma_wait3A_805 = arith.constant 0 : i32
      %dma_wait3A_806 = tpu.memref_slice %arg6[%dma_wait3A_795, %dma_wait3A_804, %dma_wait3A_805] : memref<8x56x128xf32, #tpu.memory_space<vmem>> -> memref<1x56x128xf32, #tpu.memory_space<vmem>>
      %dma_wait3A_807 = tpu.memref_squeeze %dma_wait3A_806 : memref<1x56x128xf32, #tpu.memory_space<vmem>> -> memref<56x128xf32, #tpu.memory_space<vmem>>
      tpu.wait_dma2 semaphore(%arg18 : memref<!tpu.dma_semaphore, #tpu.memory_space<semaphore_mem>>) src(%dma_wait3A_807 : memref<56x128xf32, #tpu.memory_space<vmem>>) dst(%dma_wait3A_803 : memref<56x128xf32, #tpu.memory_space<hbm>>)
      %mul3A_808 = arith.constant 56 : i32
      %mul3A_809 = arith.muli %add3A_794, %mul3A_808 : i32
      %dma_start3A_810 = arith.constant 3 : i32
      %dma_start3A_811 = arith.constant 0 : i32
      %dma_start3A_812 = arith.constant 0 : i32
      %dma_start3A_813 = tpu.memref_slice %arg6[%dma_start3A_810, %dma_start3A_811, %dma_start3A_812] : memref<8x56x128xf32, #tpu.memory_space<vmem>> -> memref<1x56x128xf32, #tpu.memory_space<vmem>>
      %dma_start3A_814 = tpu.memref_squeeze %dma_start3A_813 : memref<1x56x128xf32, #tpu.memory_space<vmem>> -> memref<56x128xf32, #tpu.memory_space<vmem>>
      %dma_start3A_815 = tpu.memref_slice %arg5[%mul3A_809] : memref<1568xi32, #tpu.memory_space<vmem>> -> memref<56xi32, #tpu.memory_space<vmem>>
      %dma_start3A_816 = arith.constant 0 : i32
      %dma_start3A_817 = arith.constant 0 : i32
      %dma_start3A_818 = tpu.memref_slice %arg2[%dma_start3A_816, %dma_start3A_817] : memref<100000x128xf32, #tpu.memory_space<hbm>> -> memref<100000x128xf32, #tpu.memory_space<hbm>>
      tpu.enqueue_indirect_dma source(%dma_start3A_818 : memref<100000x128xf32, #tpu.memory_space<hbm>>) target(%dma_start3A_814 : memref<56x128xf32, #tpu.memory_space<vmem>>) offsets(%dma_start3A_815 : memref<56xi32, #tpu.memory_space<vmem>>) semaphore(%arg10 : memref<!tpu.dma_semaphore, #tpu.memory_space<semaphore_mem>>)
      %dma_wait3A_819 = arith.constant 4 : i32
      %dma_wait3A_820 = arith.constant 0 : i32
      %dma_wait3A_821 = arith.constant 0 : i32
      %dma_wait3A_822 = tpu.memref_slice %arg6[%dma_wait3A_819, %dma_wait3A_820, %dma_wait3A_821] : memref<8x56x128xf32, #tpu.memory_space<vmem>> -> memref<1x56x128xf32, #tpu.memory_space<vmem>>
      %dma_wait3A_823 = tpu.memref_squeeze %dma_wait3A_822 : memref<1x56x128xf32, #tpu.memory_space<vmem>> -> memref<56x128xf32, #tpu.memory_space<vmem>>
      %dma_wait3A_824 = arith.constant 0 : i32
      %dma_wait3A_825 = tpu.memref_slice %arg4[%min3A_3, %dma_wait3A_824] : memref<50000x128xf32, #tpu.memory_space<hbm>> -> memref<56x128xf32, #tpu.memory_space<hbm>>
      %dma_wait3A_826 = arith.constant 0 : i32
      %dma_wait3A_827 = arith.constant 0 : i32
      %dma_wait3A_828 = tpu.memref_slice %arg6[%dma_wait3A_819, %dma_wait3A_826, %dma_wait3A_827] : memref<8x56x128xf32, #tpu.memory_space<vmem>> -> memref<1x56x128xf32, #tpu.memory_space<vmem>>
      %dma_wait3A_829 = tpu.memref_squeeze %dma_wait3A_828 : memref<1x56x128xf32, #tpu.memory_space<vmem>> -> memref<56x128xf32, #tpu.memory_space<vmem>>
      %dma_wait3A_830 = arith.constant 0 : i32
      %dma_wait3A_831 = tpu.memref_slice %arg4[%min3A_3, %dma_wait3A_830] : memref<50000x128xf32, #tpu.memory_space<hbm>> -> memref<56x128xf32, #tpu.memory_space<hbm>>
      tpu.wait_dma2 semaphore(%arg11 : memref<!tpu.dma_semaphore, #tpu.memory_space<semaphore_mem>>) src(%dma_wait3A_831 : memref<56x128xf32, #tpu.memory_space<hbm>>) dst(%dma_wait3A_829 : memref<56x128xf32, #tpu.memory_space<vmem>>)
      %sub3A_832 = arith.constant 7 : i32
      %sub3A_833 = arith.subi %add3A_794, %sub3A_832 : i32
      %mul3A_834 = arith.constant 56 : i32
      %mul3A_835 = arith.muli %sub3A_833, %mul3A_834 : i32
      %add3A_836 = arith.addi %min3A_3, %mul3A_835 : i32
      %dma_start3A_837 = arith.constant 4 : i32
      %dma_start3A_838 = arith.constant 0 : i32
      %dma_start3A_839 = arith.constant 0 : i32
      %dma_start3A_840 = tpu.memref_slice %arg6[%dma_start3A_837, %dma_start3A_838, %dma_start3A_839] : memref<8x56x128xf32, #tpu.memory_space<vmem>> -> memref<1x56x128xf32, #tpu.memory_space<vmem>>
      %dma_start3A_841 = tpu.memref_squeeze %dma_start3A_840 : memref<1x56x128xf32, #tpu.memory_space<vmem>> -> memref<56x128xf32, #tpu.memory_space<vmem>>
      %dma_start3A_842 = arith.constant 0 : i32
      %dma_start3A_843 = tpu.memref_slice %arg4[%add3A_836, %dma_start3A_842] : memref<50000x128xf32, #tpu.memory_space<hbm>> -> memref<56x128xf32, #tpu.memory_space<hbm>>
      %dma_start3A_844 = arith.constant 0 : i32
      %dma_start3A_845 = tpu.memref_slice %arg4[%add3A_836, %dma_start3A_844] : memref<50000x128xf32, #tpu.memory_space<hbm>> -> memref<56x128xf32, #tpu.memory_space<hbm>>
      %dma_start3A_846 = arith.constant 0 : i32
      %dma_start3A_847 = arith.constant 0 : i32
      %dma_start3A_848 = tpu.memref_slice %arg6[%dma_start3A_837, %dma_start3A_846, %dma_start3A_847] : memref<8x56x128xf32, #tpu.memory_space<vmem>> -> memref<1x56x128xf32, #tpu.memory_space<vmem>>
      %dma_start3A_849 = tpu.memref_squeeze %dma_start3A_848 : memref<1x56x128xf32, #tpu.memory_space<vmem>> -> memref<56x128xf32, #tpu.memory_space<vmem>>
      tpu.enqueue_dma source(%dma_start3A_849 : memref<56x128xf32, #tpu.memory_space<vmem>>) target(%dma_start3A_845 : memref<56x128xf32, #tpu.memory_space<hbm>>) target_semaphore(%arg19 : memref<!tpu.dma_semaphore, #tpu.memory_space<semaphore_mem>>)
      %add3A_850 = arith.constant 4 : i32
      %add3A_851 = arith.addi %add3A_622, %add3A_850 : i32
      %dma_wait3A_852 = arith.constant 4 : i32
      %dma_wait3A_853 = arith.constant 0 : i32
      %dma_wait3A_854 = arith.constant 0 : i32
      %dma_wait3A_855 = tpu.memref_slice %arg6[%dma_wait3A_852, %dma_wait3A_853, %dma_wait3A_854] : memref<8x56x128xf32, #tpu.memory_space<vmem>> -> memref<1x56x128xf32, #tpu.memory_space<vmem>>
      %dma_wait3A_856 = tpu.memref_squeeze %dma_wait3A_855 : memref<1x56x128xf32, #tpu.memory_space<vmem>> -> memref<56x128xf32, #tpu.memory_space<vmem>>
      %dma_wait3A_857 = arith.constant 0 : i32
      %dma_wait3A_858 = tpu.memref_slice %arg4[%min3A_3, %dma_wait3A_857] : memref<50000x128xf32, #tpu.memory_space<hbm>> -> memref<56x128xf32, #tpu.memory_space<hbm>>
      %dma_wait3A_859 = arith.constant 0 : i32
      %dma_wait3A_860 = tpu.memref_slice %arg4[%min3A_3, %dma_wait3A_859] : memref<50000x128xf32, #tpu.memory_space<hbm>> -> memref<56x128xf32, #tpu.memory_space<hbm>>
      %dma_wait3A_861 = arith.constant 0 : i32
      %dma_wait3A_862 = arith.constant 0 : i32
      %dma_wait3A_863 = tpu.memref_slice %arg6[%dma_wait3A_852, %dma_wait3A_861, %dma_wait3A_862] : memref<8x56x128xf32, #tpu.memory_space<vmem>> -> memref<1x56x128xf32, #tpu.memory_space<vmem>>
      %dma_wait3A_864 = tpu.memref_squeeze %dma_wait3A_863 : memref<1x56x128xf32, #tpu.memory_space<vmem>> -> memref<56x128xf32, #tpu.memory_space<vmem>>
      tpu.wait_dma2 semaphore(%arg19 : memref<!tpu.dma_semaphore, #tpu.memory_space<semaphore_mem>>) src(%dma_wait3A_864 : memref<56x128xf32, #tpu.memory_space<vmem>>) dst(%dma_wait3A_860 : memref<56x128xf32, #tpu.memory_space<hbm>>)
      %mul3A_865 = arith.constant 56 : i32
      %mul3A_866 = arith.muli %add3A_851, %mul3A_865 : i32
      %dma_start3A_867 = arith.constant 4 : i32
      %dma_start3A_868 = arith.constant 0 : i32
      %dma_start3A_869 = arith.constant 0 : i32
      %dma_start3A_870 = tpu.memref_slice %arg6[%dma_start3A_867, %dma_start3A_868, %dma_start3A_869] : memref<8x56x128xf32, #tpu.memory_space<vmem>> -> memref<1x56x128xf32, #tpu.memory_space<vmem>>
      %dma_start3A_871 = tpu.memref_squeeze %dma_start3A_870 : memref<1x56x128xf32, #tpu.memory_space<vmem>> -> memref<56x128xf32, #tpu.memory_space<vmem>>
      %dma_start3A_872 = tpu.memref_slice %arg5[%mul3A_866] : memref<1568xi32, #tpu.memory_space<vmem>> -> memref<56xi32, #tpu.memory_space<vmem>>
      %dma_start3A_873 = arith.constant 0 : i32
      %dma_start3A_874 = arith.constant 0 : i32
      %dma_start3A_875 = tpu.memref_slice %arg2[%dma_start3A_873, %dma_start3A_874] : memref<100000x128xf32, #tpu.memory_space<hbm>> -> memref<100000x128xf32, #tpu.memory_space<hbm>>
      tpu.enqueue_indirect_dma source(%dma_start3A_875 : memref<100000x128xf32, #tpu.memory_space<hbm>>) target(%dma_start3A_871 : memref<56x128xf32, #tpu.memory_space<vmem>>) offsets(%dma_start3A_872 : memref<56xi32, #tpu.memory_space<vmem>>) semaphore(%arg11 : memref<!tpu.dma_semaphore, #tpu.memory_space<semaphore_mem>>)
      %dma_wait3A_876 = arith.constant 5 : i32
      %dma_wait3A_877 = arith.constant 0 : i32
      %dma_wait3A_878 = arith.constant 0 : i32
      %dma_wait3A_879 = tpu.memref_slice %arg6[%dma_wait3A_876, %dma_wait3A_877, %dma_wait3A_878] : memref<8x56x128xf32, #tpu.memory_space<vmem>> -> memref<1x56x128xf32, #tpu.memory_space<vmem>>
      %dma_wait3A_880 = tpu.memref_squeeze %dma_wait3A_879 : memref<1x56x128xf32, #tpu.memory_space<vmem>> -> memref<56x128xf32, #tpu.memory_space<vmem>>
      %dma_wait3A_881 = arith.constant 0 : i32
      %dma_wait3A_882 = tpu.memref_slice %arg4[%min3A_3, %dma_wait3A_881] : memref<50000x128xf32, #tpu.memory_space<hbm>> -> memref<56x128xf32, #tpu.memory_space<hbm>>
      %dma_wait3A_883 = arith.constant 0 : i32
      %dma_wait3A_884 = arith.constant 0 : i32
      %dma_wait3A_885 = tpu.memref_slice %arg6[%dma_wait3A_876, %dma_wait3A_883, %dma_wait3A_884] : memref<8x56x128xf32, #tpu.memory_space<vmem>> -> memref<1x56x128xf32, #tpu.memory_space<vmem>>
      %dma_wait3A_886 = tpu.memref_squeeze %dma_wait3A_885 : memref<1x56x128xf32, #tpu.memory_space<vmem>> -> memref<56x128xf32, #tpu.memory_space<vmem>>
      %dma_wait3A_887 = arith.constant 0 : i32
      %dma_wait3A_888 = tpu.memref_slice %arg4[%min3A_3, %dma_wait3A_887] : memref<50000x128xf32, #tpu.memory_space<hbm>> -> memref<56x128xf32, #tpu.memory_space<hbm>>
      tpu.wait_dma2 semaphore(%arg12 : memref<!tpu.dma_semaphore, #tpu.memory_space<semaphore_mem>>) src(%dma_wait3A_888 : memref<56x128xf32, #tpu.memory_space<hbm>>) dst(%dma_wait3A_886 : memref<56x128xf32, #tpu.memory_space<vmem>>)
      %sub3A_889 = arith.constant 7 : i32
      %sub3A_890 = arith.subi %add3A_851, %sub3A_889 : i32
      %mul3A_891 = arith.constant 56 : i32
      %mul3A_892 = arith.muli %sub3A_890, %mul3A_891 : i32
      %add3A_893 = arith.addi %min3A_3, %mul3A_892 : i32
      %dma_start3A_894 = arith.constant 5 : i32
      %dma_start3A_895 = arith.constant 0 : i32
      %dma_start3A_896 = arith.constant 0 : i32
      %dma_start3A_897 = tpu.memref_slice %arg6[%dma_start3A_894, %dma_start3A_895, %dma_start3A_896] : memref<8x56x128xf32, #tpu.memory_space<vmem>> -> memref<1x56x128xf32, #tpu.memory_space<vmem>>
      %dma_start3A_898 = tpu.memref_squeeze %dma_start3A_897 : memref<1x56x128xf32, #tpu.memory_space<vmem>> -> memref<56x128xf32, #tpu.memory_space<vmem>>
      %dma_start3A_899 = arith.constant 0 : i32
      %dma_start3A_900 = tpu.memref_slice %arg4[%add3A_893, %dma_start3A_899] : memref<50000x128xf32, #tpu.memory_space<hbm>> -> memref<56x128xf32, #tpu.memory_space<hbm>>
      %dma_start3A_901 = arith.constant 0 : i32
      %dma_start3A_902 = tpu.memref_slice %arg4[%add3A_893, %dma_start3A_901] : memref<50000x128xf32, #tpu.memory_space<hbm>> -> memref<56x128xf32, #tpu.memory_space<hbm>>
      %dma_start3A_903 = arith.constant 0 : i32
      %dma_start3A_904 = arith.constant 0 : i32
      %dma_start3A_905 = tpu.memref_slice %arg6[%dma_start3A_894, %dma_start3A_903, %dma_start3A_904] : memref<8x56x128xf32, #tpu.memory_space<vmem>> -> memref<1x56x128xf32, #tpu.memory_space<vmem>>
      %dma_start3A_906 = tpu.memref_squeeze %dma_start3A_905 : memref<1x56x128xf32, #tpu.memory_space<vmem>> -> memref<56x128xf32, #tpu.memory_space<vmem>>
      tpu.enqueue_dma source(%dma_start3A_906 : memref<56x128xf32, #tpu.memory_space<vmem>>) target(%dma_start3A_902 : memref<56x128xf32, #tpu.memory_space<hbm>>) target_semaphore(%arg20 : memref<!tpu.dma_semaphore, #tpu.memory_space<semaphore_mem>>)
      %add3A_907 = arith.constant 5 : i32
      %add3A_908 = arith.addi %add3A_622, %add3A_907 : i32
      %dma_wait3A_909 = arith.constant 5 : i32
      %dma_wait3A_910 = arith.constant 0 : i32
      %dma_wait3A_911 = arith.constant 0 : i32
      %dma_wait3A_912 = tpu.memref_slice %arg6[%dma_wait3A_909, %dma_wait3A_910, %dma_wait3A_911] : memref<8x56x128xf32, #tpu.memory_space<vmem>> -> memref<1x56x128xf32, #tpu.memory_space<vmem>>
      %dma_wait3A_913 = tpu.memref_squeeze %dma_wait3A_912 : memref<1x56x128xf32, #tpu.memory_space<vmem>> -> memref<56x128xf32, #tpu.memory_space<vmem>>
      %dma_wait3A_914 = arith.constant 0 : i32
      %dma_wait3A_915 = tpu.memref_slice %arg4[%min3A_3, %dma_wait3A_914] : memref<50000x128xf32, #tpu.memory_space<hbm>> -> memref<56x128xf32, #tpu.memory_space<hbm>>
      %dma_wait3A_916 = arith.constant 0 : i32
      %dma_wait3A_917 = tpu.memref_slice %arg4[%min3A_3, %dma_wait3A_916] : memref<50000x128xf32, #tpu.memory_space<hbm>> -> memref<56x128xf32, #tpu.memory_space<hbm>>
      %dma_wait3A_918 = arith.constant 0 : i32
      %dma_wait3A_919 = arith.constant 0 : i32
      %dma_wait3A_920 = tpu.memref_slice %arg6[%dma_wait3A_909, %dma_wait3A_918, %dma_wait3A_919] : memref<8x56x128xf32, #tpu.memory_space<vmem>> -> memref<1x56x128xf32, #tpu.memory_space<vmem>>
      %dma_wait3A_921 = tpu.memref_squeeze %dma_wait3A_920 : memref<1x56x128xf32, #tpu.memory_space<vmem>> -> memref<56x128xf32, #tpu.memory_space<vmem>>
      tpu.wait_dma2 semaphore(%arg20 : memref<!tpu.dma_semaphore, #tpu.memory_space<semaphore_mem>>) src(%dma_wait3A_921 : memref<56x128xf32, #tpu.memory_space<vmem>>) dst(%dma_wait3A_917 : memref<56x128xf32, #tpu.memory_space<hbm>>)
      %mul3A_922 = arith.constant 56 : i32
      %mul3A_923 = arith.muli %add3A_908, %mul3A_922 : i32
      %dma_start3A_924 = arith.constant 5 : i32
      %dma_start3A_925 = arith.constant 0 : i32
      %dma_start3A_926 = arith.constant 0 : i32
      %dma_start3A_927 = tpu.memref_slice %arg6[%dma_start3A_924, %dma_start3A_925, %dma_start3A_926] : memref<8x56x128xf32, #tpu.memory_space<vmem>> -> memref<1x56x128xf32, #tpu.memory_space<vmem>>
      %dma_start3A_928 = tpu.memref_squeeze %dma_start3A_927 : memref<1x56x128xf32, #tpu.memory_space<vmem>> -> memref<56x128xf32, #tpu.memory_space<vmem>>
      %dma_start3A_929 = tpu.memref_slice %arg5[%mul3A_923] : memref<1568xi32, #tpu.memory_space<vmem>> -> memref<56xi32, #tpu.memory_space<vmem>>
      %dma_start3A_930 = arith.constant 0 : i32
      %dma_start3A_931 = arith.constant 0 : i32
      %dma_start3A_932 = tpu.memref_slice %arg2[%dma_start3A_930, %dma_start3A_931] : memref<100000x128xf32, #tpu.memory_space<hbm>> -> memref<100000x128xf32, #tpu.memory_space<hbm>>
      tpu.enqueue_indirect_dma source(%dma_start3A_932 : memref<100000x128xf32, #tpu.memory_space<hbm>>) target(%dma_start3A_928 : memref<56x128xf32, #tpu.memory_space<vmem>>) offsets(%dma_start3A_929 : memref<56xi32, #tpu.memory_space<vmem>>) semaphore(%arg12 : memref<!tpu.dma_semaphore, #tpu.memory_space<semaphore_mem>>)
      %dma_wait3A_933 = arith.constant 6 : i32
      %dma_wait3A_934 = arith.constant 0 : i32
      %dma_wait3A_935 = arith.constant 0 : i32
      %dma_wait3A_936 = tpu.memref_slice %arg6[%dma_wait3A_933, %dma_wait3A_934, %dma_wait3A_935] : memref<8x56x128xf32, #tpu.memory_space<vmem>> -> memref<1x56x128xf32, #tpu.memory_space<vmem>>
      %dma_wait3A_937 = tpu.memref_squeeze %dma_wait3A_936 : memref<1x56x128xf32, #tpu.memory_space<vmem>> -> memref<56x128xf32, #tpu.memory_space<vmem>>
      %dma_wait3A_938 = arith.constant 0 : i32
      %dma_wait3A_939 = tpu.memref_slice %arg4[%min3A_3, %dma_wait3A_938] : memref<50000x128xf32, #tpu.memory_space<hbm>> -> memref<56x128xf32, #tpu.memory_space<hbm>>
      %dma_wait3A_940 = arith.constant 0 : i32
      %dma_wait3A_941 = arith.constant 0 : i32
      %dma_wait3A_942 = tpu.memref_slice %arg6[%dma_wait3A_933, %dma_wait3A_940, %dma_wait3A_941] : memref<8x56x128xf32, #tpu.memory_space<vmem>> -> memref<1x56x128xf32, #tpu.memory_space<vmem>>
      %dma_wait3A_943 = tpu.memref_squeeze %dma_wait3A_942 : memref<1x56x128xf32, #tpu.memory_space<vmem>> -> memref<56x128xf32, #tpu.memory_space<vmem>>
      %dma_wait3A_944 = arith.constant 0 : i32
      %dma_wait3A_945 = tpu.memref_slice %arg4[%min3A_3, %dma_wait3A_944] : memref<50000x128xf32, #tpu.memory_space<hbm>> -> memref<56x128xf32, #tpu.memory_space<hbm>>
      tpu.wait_dma2 semaphore(%arg13 : memref<!tpu.dma_semaphore, #tpu.memory_space<semaphore_mem>>) src(%dma_wait3A_945 : memref<56x128xf32, #tpu.memory_space<hbm>>) dst(%dma_wait3A_943 : memref<56x128xf32, #tpu.memory_space<vmem>>)
      %sub3A_946 = arith.constant 7 : i32
      %sub3A_947 = arith.subi %add3A_908, %sub3A_946 : i32
      %mul3A_948 = arith.constant 56 : i32
      %mul3A_949 = arith.muli %sub3A_947, %mul3A_948 : i32
      %add3A_950 = arith.addi %min3A_3, %mul3A_949 : i32
      %dma_start3A_951 = arith.constant 6 : i32
      %dma_start3A_952 = arith.constant 0 : i32
      %dma_start3A_953 = arith.constant 0 : i32
      %dma_start3A_954 = tpu.memref_slice %arg6[%dma_start3A_951, %dma_start3A_952, %dma_start3A_953] : memref<8x56x128xf32, #tpu.memory_space<vmem>> -> memref<1x56x128xf32, #tpu.memory_space<vmem>>
      %dma_start3A_955 = tpu.memref_squeeze %dma_start3A_954 : memref<1x56x128xf32, #tpu.memory_space<vmem>> -> memref<56x128xf32, #tpu.memory_space<vmem>>
      %dma_start3A_956 = arith.constant 0 : i32
      %dma_start3A_957 = tpu.memref_slice %arg4[%add3A_950, %dma_start3A_956] : memref<50000x128xf32, #tpu.memory_space<hbm>> -> memref<56x128xf32, #tpu.memory_space<hbm>>
      %dma_start3A_958 = arith.constant 0 : i32
      %dma_start3A_959 = tpu.memref_slice %arg4[%add3A_950, %dma_start3A_958] : memref<50000x128xf32, #tpu.memory_space<hbm>> -> memref<56x128xf32, #tpu.memory_space<hbm>>
      %dma_start3A_960 = arith.constant 0 : i32
      %dma_start3A_961 = arith.constant 0 : i32
      %dma_start3A_962 = tpu.memref_slice %arg6[%dma_start3A_951, %dma_start3A_960, %dma_start3A_961] : memref<8x56x128xf32, #tpu.memory_space<vmem>> -> memref<1x56x128xf32, #tpu.memory_space<vmem>>
      %dma_start3A_963 = tpu.memref_squeeze %dma_start3A_962 : memref<1x56x128xf32, #tpu.memory_space<vmem>> -> memref<56x128xf32, #tpu.memory_space<vmem>>
      tpu.enqueue_dma source(%dma_start3A_963 : memref<56x128xf32, #tpu.memory_space<vmem>>) target(%dma_start3A_959 : memref<56x128xf32, #tpu.memory_space<hbm>>) target_semaphore(%arg21 : memref<!tpu.dma_semaphore, #tpu.memory_space<semaphore_mem>>)
      %add3A_964 = arith.constant 6 : i32
      %add3A_965 = arith.addi %add3A_622, %add3A_964 : i32
      %dma_wait3A_966 = arith.constant 6 : i32
      %dma_wait3A_967 = arith.constant 0 : i32
      %dma_wait3A_968 = arith.constant 0 : i32
      %dma_wait3A_969 = tpu.memref_slice %arg6[%dma_wait3A_966, %dma_wait3A_967, %dma_wait3A_968] : memref<8x56x128xf32, #tpu.memory_space<vmem>> -> memref<1x56x128xf32, #tpu.memory_space<vmem>>
      %dma_wait3A_970 = tpu.memref_squeeze %dma_wait3A_969 : memref<1x56x128xf32, #tpu.memory_space<vmem>> -> memref<56x128xf32, #tpu.memory_space<vmem>>
      %dma_wait3A_971 = arith.constant 0 : i32
      %dma_wait3A_972 = tpu.memref_slice %arg4[%min3A_3, %dma_wait3A_971] : memref<50000x128xf32, #tpu.memory_space<hbm>> -> memref<56x128xf32, #tpu.memory_space<hbm>>
      %dma_wait3A_973 = arith.constant 0 : i32
      %dma_wait3A_974 = tpu.memref_slice %arg4[%min3A_3, %dma_wait3A_973] : memref<50000x128xf32, #tpu.memory_space<hbm>> -> memref<56x128xf32, #tpu.memory_space<hbm>>
      %dma_wait3A_975 = arith.constant 0 : i32
      %dma_wait3A_976 = arith.constant 0 : i32
      %dma_wait3A_977 = tpu.memref_slice %arg6[%dma_wait3A_966, %dma_wait3A_975, %dma_wait3A_976] : memref<8x56x128xf32, #tpu.memory_space<vmem>> -> memref<1x56x128xf32, #tpu.memory_space<vmem>>
      %dma_wait3A_978 = tpu.memref_squeeze %dma_wait3A_977 : memref<1x56x128xf32, #tpu.memory_space<vmem>> -> memref<56x128xf32, #tpu.memory_space<vmem>>
      tpu.wait_dma2 semaphore(%arg21 : memref<!tpu.dma_semaphore, #tpu.memory_space<semaphore_mem>>) src(%dma_wait3A_978 : memref<56x128xf32, #tpu.memory_space<vmem>>) dst(%dma_wait3A_974 : memref<56x128xf32, #tpu.memory_space<hbm>>)
      %mul3A_979 = arith.constant 56 : i32
      %mul3A_980 = arith.muli %add3A_965, %mul3A_979 : i32
      %dma_start3A_981 = arith.constant 6 : i32
      %dma_start3A_982 = arith.constant 0 : i32
      %dma_start3A_983 = arith.constant 0 : i32
      %dma_start3A_984 = tpu.memref_slice %arg6[%dma_start3A_981, %dma_start3A_982, %dma_start3A_983] : memref<8x56x128xf32, #tpu.memory_space<vmem>> -> memref<1x56x128xf32, #tpu.memory_space<vmem>>
      %dma_start3A_985 = tpu.memref_squeeze %dma_start3A_984 : memref<1x56x128xf32, #tpu.memory_space<vmem>> -> memref<56x128xf32, #tpu.memory_space<vmem>>
      %dma_start3A_986 = tpu.memref_slice %arg5[%mul3A_980] : memref<1568xi32, #tpu.memory_space<vmem>> -> memref<56xi32, #tpu.memory_space<vmem>>
      %dma_start3A_987 = arith.constant 0 : i32
      %dma_start3A_988 = arith.constant 0 : i32
      %dma_start3A_989 = tpu.memref_slice %arg2[%dma_start3A_987, %dma_start3A_988] : memref<100000x128xf32, #tpu.memory_space<hbm>> -> memref<100000x128xf32, #tpu.memory_space<hbm>>
      tpu.enqueue_indirect_dma source(%dma_start3A_989 : memref<100000x128xf32, #tpu.memory_space<hbm>>) target(%dma_start3A_985 : memref<56x128xf32, #tpu.memory_space<vmem>>) offsets(%dma_start3A_986 : memref<56xi32, #tpu.memory_space<vmem>>) semaphore(%arg13 : memref<!tpu.dma_semaphore, #tpu.memory_space<semaphore_mem>>)
      %dma_wait3A_990 = arith.constant 7 : i32
      %dma_wait3A_991 = arith.constant 0 : i32
      %dma_wait3A_992 = arith.constant 0 : i32
      %dma_wait3A_993 = tpu.memref_slice %arg6[%dma_wait3A_990, %dma_wait3A_991, %dma_wait3A_992] : memref<8x56x128xf32, #tpu.memory_space<vmem>> -> memref<1x56x128xf32, #tpu.memory_space<vmem>>
      %dma_wait3A_994 = tpu.memref_squeeze %dma_wait3A_993 : memref<1x56x128xf32, #tpu.memory_space<vmem>> -> memref<56x128xf32, #tpu.memory_space<vmem>>
      %dma_wait3A_995 = arith.constant 0 : i32
      %dma_wait3A_996 = tpu.memref_slice %arg4[%min3A_3, %dma_wait3A_995] : memref<50000x128xf32, #tpu.memory_space<hbm>> -> memref<56x128xf32, #tpu.memory_space<hbm>>
      %dma_wait3A_997 = arith.constant 0 : i32
      %dma_wait3A_998 = arith.constant 0 : i32
      %dma_wait3A_999 = tpu.memref_slice %arg6[%dma_wait3A_990, %dma_wait3A_997, %dma_wait3A_998] : memref<8x56x128xf32, #tpu.memory_space<vmem>> -> memref<1x56x128xf32, #tpu.memory_space<vmem>>
      %dma_wait3A_1000 = tpu.memref_squeeze %dma_wait3A_999 : memref<1x56x128xf32, #tpu.memory_space<vmem>> -> memref<56x128xf32, #tpu.memory_space<vmem>>
      %dma_wait3A_1001 = arith.constant 0 : i32
      %dma_wait3A_1002 = tpu.memref_slice %arg4[%min3A_3, %dma_wait3A_1001] : memref<50000x128xf32, #tpu.memory_space<hbm>> -> memref<56x128xf32, #tpu.memory_space<hbm>>
      tpu.wait_dma2 semaphore(%arg14 : memref<!tpu.dma_semaphore, #tpu.memory_space<semaphore_mem>>) src(%dma_wait3A_1002 : memref<56x128xf32, #tpu.memory_space<hbm>>) dst(%dma_wait3A_1000 : memref<56x128xf32, #tpu.memory_space<vmem>>)
      %sub3A_1003 = arith.constant 7 : i32
      %sub3A_1004 = arith.subi %add3A_965, %sub3A_1003 : i32
      %mul3A_1005 = arith.constant 56 : i32
      %mul3A_1006 = arith.muli %sub3A_1004, %mul3A_1005 : i32
      %add3A_1007 = arith.addi %min3A_3, %mul3A_1006 : i32
      %dma_start3A_1008 = arith.constant 7 : i32
      %dma_start3A_1009 = arith.constant 0 : i32
      %dma_start3A_1010 = arith.constant 0 : i32
      %dma_start3A_1011 = tpu.memref_slice %arg6[%dma_start3A_1008, %dma_start3A_1009, %dma_start3A_1010] : memref<8x56x128xf32, #tpu.memory_space<vmem>> -> memref<1x56x128xf32, #tpu.memory_space<vmem>>
      %dma_start3A_1012 = tpu.memref_squeeze %dma_start3A_1011 : memref<1x56x128xf32, #tpu.memory_space<vmem>> -> memref<56x128xf32, #tpu.memory_space<vmem>>
      %dma_start3A_1013 = arith.constant 0 : i32
      %dma_start3A_1014 = tpu.memref_slice %arg4[%add3A_1007, %dma_start3A_1013] : memref<50000x128xf32, #tpu.memory_space<hbm>> -> memref<56x128xf32, #tpu.memory_space<hbm>>
      %dma_start3A_1015 = arith.constant 0 : i32
      %dma_start3A_1016 = tpu.memref_slice %arg4[%add3A_1007, %dma_start3A_1015] : memref<50000x128xf32, #tpu.memory_space<hbm>> -> memref<56x128xf32, #tpu.memory_space<hbm>>
      %dma_start3A_1017 = arith.constant 0 : i32
      %dma_start3A_1018 = arith.constant 0 : i32
      %dma_start3A_1019 = tpu.memref_slice %arg6[%dma_start3A_1008, %dma_start3A_1017, %dma_start3A_1018] : memref<8x56x128xf32, #tpu.memory_space<vmem>> -> memref<1x56x128xf32, #tpu.memory_space<vmem>>
      %dma_start3A_1020 = tpu.memref_squeeze %dma_start3A_1019 : memref<1x56x128xf32, #tpu.memory_space<vmem>> -> memref<56x128xf32, #tpu.memory_space<vmem>>
      tpu.enqueue_dma source(%dma_start3A_1020 : memref<56x128xf32, #tpu.memory_space<vmem>>) target(%dma_start3A_1016 : memref<56x128xf32, #tpu.memory_space<hbm>>) target_semaphore(%arg22 : memref<!tpu.dma_semaphore, #tpu.memory_space<semaphore_mem>>)
      %add3A_1021 = arith.constant 7 : i32
      %add3A_1022 = arith.addi %add3A_622, %add3A_1021 : i32
      %dma_wait3A_1023 = arith.constant 7 : i32
      %dma_wait3A_1024 = arith.constant 0 : i32
      %dma_wait3A_1025 = arith.constant 0 : i32
      %dma_wait3A_1026 = tpu.memref_slice %arg6[%dma_wait3A_1023, %dma_wait3A_1024, %dma_wait3A_1025] : memref<8x56x128xf32, #tpu.memory_space<vmem>> -> memref<1x56x128xf32, #tpu.memory_space<vmem>>
      %dma_wait3A_1027 = tpu.memref_squeeze %dma_wait3A_1026 : memref<1x56x128xf32, #tpu.memory_space<vmem>> -> memref<56x128xf32, #tpu.memory_space<vmem>>
      %dma_wait3A_1028 = arith.constant 0 : i32
      %dma_wait3A_1029 = tpu.memref_slice %arg4[%min3A_3, %dma_wait3A_1028] : memref<50000x128xf32, #tpu.memory_space<hbm>> -> memref<56x128xf32, #tpu.memory_space<hbm>>
      %dma_wait3A_1030 = arith.constant 0 : i32
      %dma_wait3A_1031 = tpu.memref_slice %arg4[%min3A_3, %dma_wait3A_1030] : memref<50000x128xf32, #tpu.memory_space<hbm>> -> memref<56x128xf32, #tpu.memory_space<hbm>>
      %dma_wait3A_1032 = arith.constant 0 : i32
      %dma_wait3A_1033 = arith.constant 0 : i32
      %dma_wait3A_1034 = tpu.memref_slice %arg6[%dma_wait3A_1023, %dma_wait3A_1032, %dma_wait3A_1033] : memref<8x56x128xf32, #tpu.memory_space<vmem>> -> memref<1x56x128xf32, #tpu.memory_space<vmem>>
      %dma_wait3A_1035 = tpu.memref_squeeze %dma_wait3A_1034 : memref<1x56x128xf32, #tpu.memory_space<vmem>> -> memref<56x128xf32, #tpu.memory_space<vmem>>
      tpu.wait_dma2 semaphore(%arg22 : memref<!tpu.dma_semaphore, #tpu.memory_space<semaphore_mem>>) src(%dma_wait3A_1035 : memref<56x128xf32, #tpu.memory_space<vmem>>) dst(%dma_wait3A_1031 : memref<56x128xf32, #tpu.memory_space<hbm>>)
      %mul3A_1036 = arith.constant 56 : i32
      %mul3A_1037 = arith.muli %add3A_1022, %mul3A_1036 : i32
      %dma_start3A_1038 = arith.constant 7 : i32
      %dma_start3A_1039 = arith.constant 0 : i32
      %dma_start3A_1040 = arith.constant 0 : i32
      %dma_start3A_1041 = tpu.memref_slice %arg6[%dma_start3A_1038, %dma_start3A_1039, %dma_start3A_1040] : memref<8x56x128xf32, #tpu.memory_space<vmem>> -> memref<1x56x128xf32, #tpu.memory_space<vmem>>
      %dma_start3A_1042 = tpu.memref_squeeze %dma_start3A_1041 : memref<1x56x128xf32, #tpu.memory_space<vmem>> -> memref<56x128xf32, #tpu.memory_space<vmem>>
      %dma_start3A_1043 = tpu.memref_slice %arg5[%mul3A_1037] : memref<1568xi32, #tpu.memory_space<vmem>> -> memref<56xi32, #tpu.memory_space<vmem>>
      %dma_start3A_1044 = arith.constant 0 : i32
      %dma_start3A_1045 = arith.constant 0 : i32
      %dma_start3A_1046 = tpu.memref_slice %arg2[%dma_start3A_1044, %dma_start3A_1045] : memref<100000x128xf32, #tpu.memory_space<hbm>> -> memref<100000x128xf32, #tpu.memory_space<hbm>>
      tpu.enqueue_indirect_dma source(%dma_start3A_1046 : memref<100000x128xf32, #tpu.memory_space<hbm>>) target(%dma_start3A_1042 : memref<56x128xf32, #tpu.memory_space<vmem>>) offsets(%dma_start3A_1043 : memref<56xi32, #tpu.memory_space<vmem>>) semaphore(%arg14 : memref<!tpu.dma_semaphore, #tpu.memory_space<semaphore_mem>>)
      %dma_wait3A_1047 = arith.constant 0 : i32
      %dma_wait3A_1048 = arith.constant 0 : i32
      %dma_wait3A_1049 = arith.constant 0 : i32
      %dma_wait3A_1050 = tpu.memref_slice %arg6[%dma_wait3A_1047, %dma_wait3A_1048, %dma_wait3A_1049] : memref<8x56x128xf32, #tpu.memory_space<vmem>> -> memref<1x56x128xf32, #tpu.memory_space<vmem>>
      %dma_wait3A_1051 = tpu.memref_squeeze %dma_wait3A_1050 : memref<1x56x128xf32, #tpu.memory_space<vmem>> -> memref<56x128xf32, #tpu.memory_space<vmem>>
      %dma_wait3A_1052 = arith.constant 0 : i32
      %dma_wait3A_1053 = tpu.memref_slice %arg4[%min3A_3, %dma_wait3A_1052] : memref<50000x128xf32, #tpu.memory_space<hbm>> -> memref<56x128xf32, #tpu.memory_space<hbm>>
      %dma_wait3A_1054 = arith.constant 0 : i32
      %dma_wait3A_1055 = arith.constant 0 : i32
      %dma_wait3A_1056 = tpu.memref_slice %arg6[%dma_wait3A_1047, %dma_wait3A_1054, %dma_wait3A_1055] : memref<8x56x128xf32, #tpu.memory_space<vmem>> -> memref<1x56x128xf32, #tpu.memory_space<vmem>>
      %dma_wait3A_1057 = tpu.memref_squeeze %dma_wait3A_1056 : memref<1x56x128xf32, #tpu.memory_space<vmem>> -> memref<56x128xf32, #tpu.memory_space<vmem>>
      %dma_wait3A_1058 = arith.constant 0 : i32
      %dma_wait3A_1059 = tpu.memref_slice %arg4[%min3A_3, %dma_wait3A_1058] : memref<50000x128xf32, #tpu.memory_space<hbm>> -> memref<56x128xf32, #tpu.memory_space<hbm>>
      tpu.wait_dma2 semaphore(%arg7 : memref<!tpu.dma_semaphore, #tpu.memory_space<semaphore_mem>>) src(%dma_wait3A_1059 : memref<56x128xf32, #tpu.memory_space<hbm>>) dst(%dma_wait3A_1057 : memref<56x128xf32, #tpu.memory_space<vmem>>)
      %sub3A_1060 = arith.constant 7 : i32
      %sub3A_1061 = arith.subi %add3A_1022, %sub3A_1060 : i32
      %mul3A_1062 = arith.constant 56 : i32
      %mul3A_1063 = arith.muli %sub3A_1061, %mul3A_1062 : i32
      %add3A_1064 = arith.addi %min3A_3, %mul3A_1063 : i32
      %dma_start3A_1065 = arith.constant 0 : i32
      %dma_start3A_1066 = arith.constant 0 : i32
      %dma_start3A_1067 = arith.constant 0 : i32
      %dma_start3A_1068 = tpu.memref_slice %arg6[%dma_start3A_1065, %dma_start3A_1066, %dma_start3A_1067] : memref<8x56x128xf32, #tpu.memory_space<vmem>> -> memref<1x56x128xf32, #tpu.memory_space<vmem>>
      %dma_start3A_1069 = tpu.memref_squeeze %dma_start3A_1068 : memref<1x56x128xf32, #tpu.memory_space<vmem>> -> memref<56x128xf32, #tpu.memory_space<vmem>>
      %dma_start3A_1070 = arith.constant 0 : i32
      %dma_start3A_1071 = tpu.memref_slice %arg4[%add3A_1064, %dma_start3A_1070] : memref<50000x128xf32, #tpu.memory_space<hbm>> -> memref<56x128xf32, #tpu.memory_space<hbm>>
      %dma_start3A_1072 = arith.constant 0 : i32
      %dma_start3A_1073 = tpu.memref_slice %arg4[%add3A_1064, %dma_start3A_1072] : memref<50000x128xf32, #tpu.memory_space<hbm>> -> memref<56x128xf32, #tpu.memory_space<hbm>>
      %dma_start3A_1074 = arith.constant 0 : i32
      %dma_start3A_1075 = arith.constant 0 : i32
      %dma_start3A_1076 = tpu.memref_slice %arg6[%dma_start3A_1065, %dma_start3A_1074, %dma_start3A_1075] : memref<8x56x128xf32, #tpu.memory_space<vmem>> -> memref<1x56x128xf32, #tpu.memory_space<vmem>>
      %dma_start3A_1077 = tpu.memref_squeeze %dma_start3A_1076 : memref<1x56x128xf32, #tpu.memory_space<vmem>> -> memref<56x128xf32, #tpu.memory_space<vmem>>
      tpu.enqueue_dma source(%dma_start3A_1077 : memref<56x128xf32, #tpu.memory_space<vmem>>) target(%dma_start3A_1073 : memref<56x128xf32, #tpu.memory_space<hbm>>) target_semaphore(%arg15 : memref<!tpu.dma_semaphore, #tpu.memory_space<semaphore_mem>>)
    }
    %scan3A_113 = arith.constant 2 : i32
    %dma_wait3A_114 = arith.constant 0 : i32
    %dma_wait3A_115 = arith.constant 0 : i32
    %dma_wait3A_116 = arith.constant 0 : i32
    %dma_wait3A_117 = tpu.memref_slice %arg6[%dma_wait3A_114, %dma_wait3A_115, %dma_wait3A_116] : memref<8x56x128xf32, #tpu.memory_space<vmem>> -> memref<1x56x128xf32, #tpu.memory_space<vmem>>
    %dma_wait3A_118 = tpu.memref_squeeze %dma_wait3A_117 : memref<1x56x128xf32, #tpu.memory_space<vmem>> -> memref<56x128xf32, #tpu.memory_space<vmem>>
    %dma_wait3A_119 = arith.constant 0 : i32
    %dma_wait3A_120 = tpu.memref_slice %arg4[%min3A_3, %dma_wait3A_119] : memref<50000x128xf32, #tpu.memory_space<hbm>> -> memref<56x128xf32, #tpu.memory_space<hbm>>
    %dma_wait3A_121 = arith.constant 0 : i32
    %dma_wait3A_122 = tpu.memref_slice %arg4[%min3A_3, %dma_wait3A_121] : memref<50000x128xf32, #tpu.memory_space<hbm>> -> memref<56x128xf32, #tpu.memory_space<hbm>>
    %dma_wait3A_123 = arith.constant 0 : i32
    %dma_wait3A_124 = arith.constant 0 : i32
    %dma_wait3A_125 = tpu.memref_slice %arg6[%dma_wait3A_114, %dma_wait3A_123, %dma_wait3A_124] : memref<8x56x128xf32, #tpu.memory_space<vmem>> -> memref<1x56x128xf32, #tpu.memory_space<vmem>>
    %dma_wait3A_126 = tpu.memref_squeeze %dma_wait3A_125 : memref<1x56x128xf32, #tpu.memory_space<vmem>> -> memref<56x128xf32, #tpu.memory_space<vmem>>
    tpu.wait_dma2 semaphore(%arg15 : memref<!tpu.dma_semaphore, #tpu.memory_space<semaphore_mem>>) src(%dma_wait3A_126 : memref<56x128xf32, #tpu.memory_space<vmem>>) dst(%dma_wait3A_122 : memref<56x128xf32, #tpu.memory_space<hbm>>)
    %dma_start3A_127 = arith.constant 0 : i32
    %dma_start3A_128 = arith.constant 0 : i32
    %dma_start3A_129 = arith.constant 0 : i32
    %dma_start3A_130 = tpu.memref_slice %arg6[%dma_start3A_127, %dma_start3A_128, %dma_start3A_129] : memref<8x56x128xf32, #tpu.memory_space<vmem>> -> memref<1x56x128xf32, #tpu.memory_space<vmem>>
    %dma_start3A_131 = tpu.memref_squeeze %dma_start3A_130 : memref<1x56x128xf32, #tpu.memory_space<vmem>> -> memref<56x128xf32, #tpu.memory_space<vmem>>
    %dma_start3A_132 = arith.constant 1344 : i32
    %dma_start3A_133 = tpu.memref_slice %arg5[%dma_start3A_132] : memref<1568xi32, #tpu.memory_space<vmem>> -> memref<56xi32, #tpu.memory_space<vmem>>
    %dma_start3A_134 = arith.constant 0 : i32
    %dma_start3A_135 = arith.constant 0 : i32
    %dma_start3A_136 = tpu.memref_slice %arg2[%dma_start3A_134, %dma_start3A_135] : memref<100000x128xf32, #tpu.memory_space<hbm>> -> memref<100000x128xf32, #tpu.memory_space<hbm>>
    tpu.enqueue_indirect_dma source(%dma_start3A_136 : memref<100000x128xf32, #tpu.memory_space<hbm>>) target(%dma_start3A_131 : memref<56x128xf32, #tpu.memory_space<vmem>>) offsets(%dma_start3A_133 : memref<56xi32, #tpu.memory_space<vmem>>) semaphore(%arg7 : memref<!tpu.dma_semaphore, #tpu.memory_space<semaphore_mem>>)
    %dma_wait3A_137 = arith.constant 1 : i32
    %dma_wait3A_138 = arith.constant 0 : i32
    %dma_wait3A_139 = arith.constant 0 : i32
    %dma_wait3A_140 = tpu.memref_slice %arg6[%dma_wait3A_137, %dma_wait3A_138, %dma_wait3A_139] : memref<8x56x128xf32, #tpu.memory_space<vmem>> -> memref<1x56x128xf32, #tpu.memory_space<vmem>>
    %dma_wait3A_141 = tpu.memref_squeeze %dma_wait3A_140 : memref<1x56x128xf32, #tpu.memory_space<vmem>> -> memref<56x128xf32, #tpu.memory_space<vmem>>
    %dma_wait3A_142 = arith.constant 0 : i32
    %dma_wait3A_143 = tpu.memref_slice %arg4[%min3A_3, %dma_wait3A_142] : memref<50000x128xf32, #tpu.memory_space<hbm>> -> memref<56x128xf32, #tpu.memory_space<hbm>>
    %dma_wait3A_144 = arith.constant 0 : i32
    %dma_wait3A_145 = arith.constant 0 : i32
    %dma_wait3A_146 = tpu.memref_slice %arg6[%dma_wait3A_137, %dma_wait3A_144, %dma_wait3A_145] : memref<8x56x128xf32, #tpu.memory_space<vmem>> -> memref<1x56x128xf32, #tpu.memory_space<vmem>>
    %dma_wait3A_147 = tpu.memref_squeeze %dma_wait3A_146 : memref<1x56x128xf32, #tpu.memory_space<vmem>> -> memref<56x128xf32, #tpu.memory_space<vmem>>
    %dma_wait3A_148 = arith.constant 0 : i32
    %dma_wait3A_149 = tpu.memref_slice %arg4[%min3A_3, %dma_wait3A_148] : memref<50000x128xf32, #tpu.memory_space<hbm>> -> memref<56x128xf32, #tpu.memory_space<hbm>>
    tpu.wait_dma2 semaphore(%arg8 : memref<!tpu.dma_semaphore, #tpu.memory_space<semaphore_mem>>) src(%dma_wait3A_149 : memref<56x128xf32, #tpu.memory_space<hbm>>) dst(%dma_wait3A_147 : memref<56x128xf32, #tpu.memory_space<vmem>>)
    %add3A_150 = arith.constant 952 : i32
    %add3A_151 = arith.addi %min3A_3, %add3A_150 : i32
    %dma_start3A_152 = arith.constant 1 : i32
    %dma_start3A_153 = arith.constant 0 : i32
    %dma_start3A_154 = arith.constant 0 : i32
    %dma_start3A_155 = tpu.memref_slice %arg6[%dma_start3A_152, %dma_start3A_153, %dma_start3A_154] : memref<8x56x128xf32, #tpu.memory_space<vmem>> -> memref<1x56x128xf32, #tpu.memory_space<vmem>>
    %dma_start3A_156 = tpu.memref_squeeze %dma_start3A_155 : memref<1x56x128xf32, #tpu.memory_space<vmem>> -> memref<56x128xf32, #tpu.memory_space<vmem>>
    %dma_start3A_157 = arith.constant 0 : i32
    %dma_start3A_158 = tpu.memref_slice %arg4[%add3A_151, %dma_start3A_157] : memref<50000x128xf32, #tpu.memory_space<hbm>> -> memref<56x128xf32, #tpu.memory_space<hbm>>
    %dma_start3A_159 = arith.constant 0 : i32
    %dma_start3A_160 = tpu.memref_slice %arg4[%add3A_151, %dma_start3A_159] : memref<50000x128xf32, #tpu.memory_space<hbm>> -> memref<56x128xf32, #tpu.memory_space<hbm>>
    %dma_start3A_161 = arith.constant 0 : i32
    %dma_start3A_162 = arith.constant 0 : i32
    %dma_start3A_163 = tpu.memref_slice %arg6[%dma_start3A_152, %dma_start3A_161, %dma_start3A_162] : memref<8x56x128xf32, #tpu.memory_space<vmem>> -> memref<1x56x128xf32, #tpu.memory_space<vmem>>
    %dma_start3A_164 = tpu.memref_squeeze %dma_start3A_163 : memref<1x56x128xf32, #tpu.memory_space<vmem>> -> memref<56x128xf32, #tpu.memory_space<vmem>>
    tpu.enqueue_dma source(%dma_start3A_164 : memref<56x128xf32, #tpu.memory_space<vmem>>) target(%dma_start3A_160 : memref<56x128xf32, #tpu.memory_space<hbm>>) target_semaphore(%arg16 : memref<!tpu.dma_semaphore, #tpu.memory_space<semaphore_mem>>)
    %dma_wait3A_165 = arith.constant 1 : i32
    %dma_wait3A_166 = arith.constant 0 : i32
    %dma_wait3A_167 = arith.constant 0 : i32
    %dma_wait3A_168 = tpu.memref_slice %arg6[%dma_wait3A_165, %dma_wait3A_166, %dma_wait3A_167] : memref<8x56x128xf32, #tpu.memory_space<vmem>> -> memref<1x56x128xf32, #tpu.memory_space<vmem>>
    %dma_wait3A_169 = tpu.memref_squeeze %dma_wait3A_168 : memref<1x56x128xf32, #tpu.memory_space<vmem>> -> memref<56x128xf32, #tpu.memory_space<vmem>>
    %dma_wait3A_170 = arith.constant 0 : i32
    %dma_wait3A_171 = tpu.memref_slice %arg4[%min3A_3, %dma_wait3A_170] : memref<50000x128xf32, #tpu.memory_space<hbm>> -> memref<56x128xf32, #tpu.memory_space<hbm>>
    %dma_wait3A_172 = arith.constant 0 : i32
    %dma_wait3A_173 = tpu.memref_slice %arg4[%min3A_3, %dma_wait3A_172] : memref<50000x128xf32, #tpu.memory_space<hbm>> -> memref<56x128xf32, #tpu.memory_space<hbm>>
    %dma_wait3A_174 = arith.constant 0 : i32
    %dma_wait3A_175 = arith.constant 0 : i32
    %dma_wait3A_176 = tpu.memref_slice %arg6[%dma_wait3A_165, %dma_wait3A_174, %dma_wait3A_175] : memref<8x56x128xf32, #tpu.memory_space<vmem>> -> memref<1x56x128xf32, #tpu.memory_space<vmem>>
    %dma_wait3A_177 = tpu.memref_squeeze %dma_wait3A_176 : memref<1x56x128xf32, #tpu.memory_space<vmem>> -> memref<56x128xf32, #tpu.memory_space<vmem>>
    tpu.wait_dma2 semaphore(%arg16 : memref<!tpu.dma_semaphore, #tpu.memory_space<semaphore_mem>>) src(%dma_wait3A_177 : memref<56x128xf32, #tpu.memory_space<vmem>>) dst(%dma_wait3A_173 : memref<56x128xf32, #tpu.memory_space<hbm>>)
    %dma_start3A_178 = arith.constant 1 : i32
    %dma_start3A_179 = arith.constant 0 : i32
    %dma_start3A_180 = arith.constant 0 : i32
    %dma_start3A_181 = tpu.memref_slice %arg6[%dma_start3A_178, %dma_start3A_179, %dma_start3A_180] : memref<8x56x128xf32, #tpu.memory_space<vmem>> -> memref<1x56x128xf32, #tpu.memory_space<vmem>>
    %dma_start3A_182 = tpu.memref_squeeze %dma_start3A_181 : memref<1x56x128xf32, #tpu.memory_space<vmem>> -> memref<56x128xf32, #tpu.memory_space<vmem>>
    %dma_start3A_183 = arith.constant 1400 : i32
    %dma_start3A_184 = tpu.memref_slice %arg5[%dma_start3A_183] : memref<1568xi32, #tpu.memory_space<vmem>> -> memref<56xi32, #tpu.memory_space<vmem>>
    %dma_start3A_185 = arith.constant 0 : i32
    %dma_start3A_186 = arith.constant 0 : i32
    %dma_start3A_187 = tpu.memref_slice %arg2[%dma_start3A_185, %dma_start3A_186] : memref<100000x128xf32, #tpu.memory_space<hbm>> -> memref<100000x128xf32, #tpu.memory_space<hbm>>
    tpu.enqueue_indirect_dma source(%dma_start3A_187 : memref<100000x128xf32, #tpu.memory_space<hbm>>) target(%dma_start3A_182 : memref<56x128xf32, #tpu.memory_space<vmem>>) offsets(%dma_start3A_184 : memref<56xi32, #tpu.memory_space<vmem>>) semaphore(%arg8 : memref<!tpu.dma_semaphore, #tpu.memory_space<semaphore_mem>>)
    %dma_wait3A_188 = arith.constant 2 : i32
    %dma_wait3A_189 = arith.constant 0 : i32
    %dma_wait3A_190 = arith.constant 0 : i32
    %dma_wait3A_191 = tpu.memref_slice %arg6[%dma_wait3A_188, %dma_wait3A_189, %dma_wait3A_190] : memref<8x56x128xf32, #tpu.memory_space<vmem>> -> memref<1x56x128xf32, #tpu.memory_space<vmem>>
    %dma_wait3A_192 = tpu.memref_squeeze %dma_wait3A_191 : memref<1x56x128xf32, #tpu.memory_space<vmem>> -> memref<56x128xf32, #tpu.memory_space<vmem>>
    %dma_wait3A_193 = arith.constant 0 : i32
    %dma_wait3A_194 = tpu.memref_slice %arg4[%min3A_3, %dma_wait3A_193] : memref<50000x128xf32, #tpu.memory_space<hbm>> -> memref<56x128xf32, #tpu.memory_space<hbm>>
    %dma_wait3A_195 = arith.constant 0 : i32
    %dma_wait3A_196 = arith.constant 0 : i32
    %dma_wait3A_197 = tpu.memref_slice %arg6[%dma_wait3A_188, %dma_wait3A_195, %dma_wait3A_196] : memref<8x56x128xf32, #tpu.memory_space<vmem>> -> memref<1x56x128xf32, #tpu.memory_space<vmem>>
    %dma_wait3A_198 = tpu.memref_squeeze %dma_wait3A_197 : memref<1x56x128xf32, #tpu.memory_space<vmem>> -> memref<56x128xf32, #tpu.memory_space<vmem>>
    %dma_wait3A_199 = arith.constant 0 : i32
    %dma_wait3A_200 = tpu.memref_slice %arg4[%min3A_3, %dma_wait3A_199] : memref<50000x128xf32, #tpu.memory_space<hbm>> -> memref<56x128xf32, #tpu.memory_space<hbm>>
    tpu.wait_dma2 semaphore(%arg9 : memref<!tpu.dma_semaphore, #tpu.memory_space<semaphore_mem>>) src(%dma_wait3A_200 : memref<56x128xf32, #tpu.memory_space<hbm>>) dst(%dma_wait3A_198 : memref<56x128xf32, #tpu.memory_space<vmem>>)
    %add3A_201 = arith.constant 1008 : i32
    %add3A_202 = arith.addi %min3A_3, %add3A_201 : i32
    %dma_start3A_203 = arith.constant 2 : i32
    %dma_start3A_204 = arith.constant 0 : i32
    %dma_start3A_205 = arith.constant 0 : i32
    %dma_start3A_206 = tpu.memref_slice %arg6[%dma_start3A_203, %dma_start3A_204, %dma_start3A_205] : memref<8x56x128xf32, #tpu.memory_space<vmem>> -> memref<1x56x128xf32, #tpu.memory_space<vmem>>
    %dma_start3A_207 = tpu.memref_squeeze %dma_start3A_206 : memref<1x56x128xf32, #tpu.memory_space<vmem>> -> memref<56x128xf32, #tpu.memory_space<vmem>>
    %dma_start3A_208 = arith.constant 0 : i32
    %dma_start3A_209 = tpu.memref_slice %arg4[%add3A_202, %dma_start3A_208] : memref<50000x128xf32, #tpu.memory_space<hbm>> -> memref<56x128xf32, #tpu.memory_space<hbm>>
    %dma_start3A_210 = arith.constant 0 : i32
    %dma_start3A_211 = tpu.memref_slice %arg4[%add3A_202, %dma_start3A_210] : memref<50000x128xf32, #tpu.memory_space<hbm>> -> memref<56x128xf32, #tpu.memory_space<hbm>>
    %dma_start3A_212 = arith.constant 0 : i32
    %dma_start3A_213 = arith.constant 0 : i32
    %dma_start3A_214 = tpu.memref_slice %arg6[%dma_start3A_203, %dma_start3A_212, %dma_start3A_213] : memref<8x56x128xf32, #tpu.memory_space<vmem>> -> memref<1x56x128xf32, #tpu.memory_space<vmem>>
    %dma_start3A_215 = tpu.memref_squeeze %dma_start3A_214 : memref<1x56x128xf32, #tpu.memory_space<vmem>> -> memref<56x128xf32, #tpu.memory_space<vmem>>
    tpu.enqueue_dma source(%dma_start3A_215 : memref<56x128xf32, #tpu.memory_space<vmem>>) target(%dma_start3A_211 : memref<56x128xf32, #tpu.memory_space<hbm>>) target_semaphore(%arg17 : memref<!tpu.dma_semaphore, #tpu.memory_space<semaphore_mem>>)
    %dma_wait3A_216 = arith.constant 2 : i32
    %dma_wait3A_217 = arith.constant 0 : i32
    %dma_wait3A_218 = arith.constant 0 : i32
    %dma_wait3A_219 = tpu.memref_slice %arg6[%dma_wait3A_216, %dma_wait3A_217, %dma_wait3A_218] : memref<8x56x128xf32, #tpu.memory_space<vmem>> -> memref<1x56x128xf32, #tpu.memory_space<vmem>>
    %dma_wait3A_220 = tpu.memref_squeeze %dma_wait3A_219 : memref<1x56x128xf32, #tpu.memory_space<vmem>> -> memref<56x128xf32, #tpu.memory_space<vmem>>
    %dma_wait3A_221 = arith.constant 0 : i32
    %dma_wait3A_222 = tpu.memref_slice %arg4[%min3A_3, %dma_wait3A_221] : memref<50000x128xf32, #tpu.memory_space<hbm>> -> memref<56x128xf32, #tpu.memory_space<hbm>>
    %dma_wait3A_223 = arith.constant 0 : i32
    %dma_wait3A_224 = tpu.memref_slice %arg4[%min3A_3, %dma_wait3A_223] : memref<50000x128xf32, #tpu.memory_space<hbm>> -> memref<56x128xf32, #tpu.memory_space<hbm>>
    %dma_wait3A_225 = arith.constant 0 : i32
    %dma_wait3A_226 = arith.constant 0 : i32
    %dma_wait3A_227 = tpu.memref_slice %arg6[%dma_wait3A_216, %dma_wait3A_225, %dma_wait3A_226] : memref<8x56x128xf32, #tpu.memory_space<vmem>> -> memref<1x56x128xf32, #tpu.memory_space<vmem>>
    %dma_wait3A_228 = tpu.memref_squeeze %dma_wait3A_227 : memref<1x56x128xf32, #tpu.memory_space<vmem>> -> memref<56x128xf32, #tpu.memory_space<vmem>>
    tpu.wait_dma2 semaphore(%arg17 : memref<!tpu.dma_semaphore, #tpu.memory_space<semaphore_mem>>) src(%dma_wait3A_228 : memref<56x128xf32, #tpu.memory_space<vmem>>) dst(%dma_wait3A_224 : memref<56x128xf32, #tpu.memory_space<hbm>>)
    %dma_start3A_229 = arith.constant 2 : i32
    %dma_start3A_230 = arith.constant 0 : i32
    %dma_start3A_231 = arith.constant 0 : i32
    %dma_start3A_232 = tpu.memref_slice %arg6[%dma_start3A_229, %dma_start3A_230, %dma_start3A_231] : memref<8x56x128xf32, #tpu.memory_space<vmem>> -> memref<1x56x128xf32, #tpu.memory_space<vmem>>
    %dma_start3A_233 = tpu.memref_squeeze %dma_start3A_232 : memref<1x56x128xf32, #tpu.memory_space<vmem>> -> memref<56x128xf32, #tpu.memory_space<vmem>>
    %dma_start3A_234 = arith.constant 1456 : i32
    %dma_start3A_235 = tpu.memref_slice %arg5[%dma_start3A_234] : memref<1568xi32, #tpu.memory_space<vmem>> -> memref<56xi32, #tpu.memory_space<vmem>>
    %dma_start3A_236 = arith.constant 0 : i32
    %dma_start3A_237 = arith.constant 0 : i32
    %dma_start3A_238 = tpu.memref_slice %arg2[%dma_start3A_236, %dma_start3A_237] : memref<100000x128xf32, #tpu.memory_space<hbm>> -> memref<100000x128xf32, #tpu.memory_space<hbm>>
    tpu.enqueue_indirect_dma source(%dma_start3A_238 : memref<100000x128xf32, #tpu.memory_space<hbm>>) target(%dma_start3A_233 : memref<56x128xf32, #tpu.memory_space<vmem>>) offsets(%dma_start3A_235 : memref<56xi32, #tpu.memory_space<vmem>>) semaphore(%arg9 : memref<!tpu.dma_semaphore, #tpu.memory_space<semaphore_mem>>)
    %dma_wait3A_239 = arith.constant 3 : i32
    %dma_wait3A_240 = arith.constant 0 : i32
    %dma_wait3A_241 = arith.constant 0 : i32
    %dma_wait3A_242 = tpu.memref_slice %arg6[%dma_wait3A_239, %dma_wait3A_240, %dma_wait3A_241] : memref<8x56x128xf32, #tpu.memory_space<vmem>> -> memref<1x56x128xf32, #tpu.memory_space<vmem>>
    %dma_wait3A_243 = tpu.memref_squeeze %dma_wait3A_242 : memref<1x56x128xf32, #tpu.memory_space<vmem>> -> memref<56x128xf32, #tpu.memory_space<vmem>>
    %dma_wait3A_244 = arith.constant 0 : i32
    %dma_wait3A_245 = tpu.memref_slice %arg4[%min3A_3, %dma_wait3A_244] : memref<50000x128xf32, #tpu.memory_space<hbm>> -> memref<56x128xf32, #tpu.memory_space<hbm>>
    %dma_wait3A_246 = arith.constant 0 : i32
    %dma_wait3A_247 = arith.constant 0 : i32
    %dma_wait3A_248 = tpu.memref_slice %arg6[%dma_wait3A_239, %dma_wait3A_246, %dma_wait3A_247] : memref<8x56x128xf32, #tpu.memory_space<vmem>> -> memref<1x56x128xf32, #tpu.memory_space<vmem>>
    %dma_wait3A_249 = tpu.memref_squeeze %dma_wait3A_248 : memref<1x56x128xf32, #tpu.memory_space<vmem>> -> memref<56x128xf32, #tpu.memory_space<vmem>>
    %dma_wait3A_250 = arith.constant 0 : i32
    %dma_wait3A_251 = tpu.memref_slice %arg4[%min3A_3, %dma_wait3A_250] : memref<50000x128xf32, #tpu.memory_space<hbm>> -> memref<56x128xf32, #tpu.memory_space<hbm>>
    tpu.wait_dma2 semaphore(%arg10 : memref<!tpu.dma_semaphore, #tpu.memory_space<semaphore_mem>>) src(%dma_wait3A_251 : memref<56x128xf32, #tpu.memory_space<hbm>>) dst(%dma_wait3A_249 : memref<56x128xf32, #tpu.memory_space<vmem>>)
    %add3A_252 = arith.constant 1064 : i32
    %add3A_253 = arith.addi %min3A_3, %add3A_252 : i32
    %dma_start3A_254 = arith.constant 3 : i32
    %dma_start3A_255 = arith.constant 0 : i32
    %dma_start3A_256 = arith.constant 0 : i32
    %dma_start3A_257 = tpu.memref_slice %arg6[%dma_start3A_254, %dma_start3A_255, %dma_start3A_256] : memref<8x56x128xf32, #tpu.memory_space<vmem>> -> memref<1x56x128xf32, #tpu.memory_space<vmem>>
    %dma_start3A_258 = tpu.memref_squeeze %dma_start3A_257 : memref<1x56x128xf32, #tpu.memory_space<vmem>> -> memref<56x128xf32, #tpu.memory_space<vmem>>
    %dma_start3A_259 = arith.constant 0 : i32
    %dma_start3A_260 = tpu.memref_slice %arg4[%add3A_253, %dma_start3A_259] : memref<50000x128xf32, #tpu.memory_space<hbm>> -> memref<56x128xf32, #tpu.memory_space<hbm>>
    %dma_start3A_261 = arith.constant 0 : i32
    %dma_start3A_262 = tpu.memref_slice %arg4[%add3A_253, %dma_start3A_261] : memref<50000x128xf32, #tpu.memory_space<hbm>> -> memref<56x128xf32, #tpu.memory_space<hbm>>
    %dma_start3A_263 = arith.constant 0 : i32
    %dma_start3A_264 = arith.constant 0 : i32
    %dma_start3A_265 = tpu.memref_slice %arg6[%dma_start3A_254, %dma_start3A_263, %dma_start3A_264] : memref<8x56x128xf32, #tpu.memory_space<vmem>> -> memref<1x56x128xf32, #tpu.memory_space<vmem>>
    %dma_start3A_266 = tpu.memref_squeeze %dma_start3A_265 : memref<1x56x128xf32, #tpu.memory_space<vmem>> -> memref<56x128xf32, #tpu.memory_space<vmem>>
    tpu.enqueue_dma source(%dma_start3A_266 : memref<56x128xf32, #tpu.memory_space<vmem>>) target(%dma_start3A_262 : memref<56x128xf32, #tpu.memory_space<hbm>>) target_semaphore(%arg18 : memref<!tpu.dma_semaphore, #tpu.memory_space<semaphore_mem>>)
    %dma_wait3A_267 = arith.constant 3 : i32
    %dma_wait3A_268 = arith.constant 0 : i32
    %dma_wait3A_269 = arith.constant 0 : i32
    %dma_wait3A_270 = tpu.memref_slice %arg6[%dma_wait3A_267, %dma_wait3A_268, %dma_wait3A_269] : memref<8x56x128xf32, #tpu.memory_space<vmem>> -> memref<1x56x128xf32, #tpu.memory_space<vmem>>
    %dma_wait3A_271 = tpu.memref_squeeze %dma_wait3A_270 : memref<1x56x128xf32, #tpu.memory_space<vmem>> -> memref<56x128xf32, #tpu.memory_space<vmem>>
    %dma_wait3A_272 = arith.constant 0 : i32
    %dma_wait3A_273 = tpu.memref_slice %arg4[%min3A_3, %dma_wait3A_272] : memref<50000x128xf32, #tpu.memory_space<hbm>> -> memref<56x128xf32, #tpu.memory_space<hbm>>
    %dma_wait3A_274 = arith.constant 0 : i32
    %dma_wait3A_275 = tpu.memref_slice %arg4[%min3A_3, %dma_wait3A_274] : memref<50000x128xf32, #tpu.memory_space<hbm>> -> memref<56x128xf32, #tpu.memory_space<hbm>>
    %dma_wait3A_276 = arith.constant 0 : i32
    %dma_wait3A_277 = arith.constant 0 : i32
    %dma_wait3A_278 = tpu.memref_slice %arg6[%dma_wait3A_267, %dma_wait3A_276, %dma_wait3A_277] : memref<8x56x128xf32, #tpu.memory_space<vmem>> -> memref<1x56x128xf32, #tpu.memory_space<vmem>>
    %dma_wait3A_279 = tpu.memref_squeeze %dma_wait3A_278 : memref<1x56x128xf32, #tpu.memory_space<vmem>> -> memref<56x128xf32, #tpu.memory_space<vmem>>
    tpu.wait_dma2 semaphore(%arg18 : memref<!tpu.dma_semaphore, #tpu.memory_space<semaphore_mem>>) src(%dma_wait3A_279 : memref<56x128xf32, #tpu.memory_space<vmem>>) dst(%dma_wait3A_275 : memref<56x128xf32, #tpu.memory_space<hbm>>)
    %dma_start3A_280 = arith.constant 3 : i32
    %dma_start3A_281 = arith.constant 0 : i32
    %dma_start3A_282 = arith.constant 0 : i32
    %dma_start3A_283 = tpu.memref_slice %arg6[%dma_start3A_280, %dma_start3A_281, %dma_start3A_282] : memref<8x56x128xf32, #tpu.memory_space<vmem>> -> memref<1x56x128xf32, #tpu.memory_space<vmem>>
    %dma_start3A_284 = tpu.memref_squeeze %dma_start3A_283 : memref<1x56x128xf32, #tpu.memory_space<vmem>> -> memref<56x128xf32, #tpu.memory_space<vmem>>
    %dma_start3A_285 = arith.constant 1512 : i32
    %dma_start3A_286 = tpu.memref_slice %arg5[%dma_start3A_285] : memref<1568xi32, #tpu.memory_space<vmem>> -> memref<56xi32, #tpu.memory_space<vmem>>
    %dma_start3A_287 = arith.constant 0 : i32
    %dma_start3A_288 = arith.constant 0 : i32
    %dma_start3A_289 = tpu.memref_slice %arg2[%dma_start3A_287, %dma_start3A_288] : memref<100000x128xf32, #tpu.memory_space<hbm>> -> memref<100000x128xf32, #tpu.memory_space<hbm>>
    tpu.enqueue_indirect_dma source(%dma_start3A_289 : memref<100000x128xf32, #tpu.memory_space<hbm>>) target(%dma_start3A_284 : memref<56x128xf32, #tpu.memory_space<vmem>>) offsets(%dma_start3A_286 : memref<56xi32, #tpu.memory_space<vmem>>) semaphore(%arg10 : memref<!tpu.dma_semaphore, #tpu.memory_space<semaphore_mem>>)
    %dma_wait3A_290 = arith.constant 4 : i32
    %dma_wait3A_291 = arith.constant 0 : i32
    %dma_wait3A_292 = arith.constant 0 : i32
    %dma_wait3A_293 = tpu.memref_slice %arg6[%dma_wait3A_290, %dma_wait3A_291, %dma_wait3A_292] : memref<8x56x128xf32, #tpu.memory_space<vmem>> -> memref<1x56x128xf32, #tpu.memory_space<vmem>>
    %dma_wait3A_294 = tpu.memref_squeeze %dma_wait3A_293 : memref<1x56x128xf32, #tpu.memory_space<vmem>> -> memref<56x128xf32, #tpu.memory_space<vmem>>
    %dma_wait3A_295 = arith.constant 0 : i32
    %dma_wait3A_296 = tpu.memref_slice %arg4[%min3A_3, %dma_wait3A_295] : memref<50000x128xf32, #tpu.memory_space<hbm>> -> memref<56x128xf32, #tpu.memory_space<hbm>>
    %dma_wait3A_297 = arith.constant 0 : i32
    %dma_wait3A_298 = arith.constant 0 : i32
    %dma_wait3A_299 = tpu.memref_slice %arg6[%dma_wait3A_290, %dma_wait3A_297, %dma_wait3A_298] : memref<8x56x128xf32, #tpu.memory_space<vmem>> -> memref<1x56x128xf32, #tpu.memory_space<vmem>>
    %dma_wait3A_300 = tpu.memref_squeeze %dma_wait3A_299 : memref<1x56x128xf32, #tpu.memory_space<vmem>> -> memref<56x128xf32, #tpu.memory_space<vmem>>
    %dma_wait3A_301 = arith.constant 0 : i32
    %dma_wait3A_302 = tpu.memref_slice %arg4[%min3A_3, %dma_wait3A_301] : memref<50000x128xf32, #tpu.memory_space<hbm>> -> memref<56x128xf32, #tpu.memory_space<hbm>>
    tpu.wait_dma2 semaphore(%arg11 : memref<!tpu.dma_semaphore, #tpu.memory_space<semaphore_mem>>) src(%dma_wait3A_302 : memref<56x128xf32, #tpu.memory_space<hbm>>) dst(%dma_wait3A_300 : memref<56x128xf32, #tpu.memory_space<vmem>>)
    %add3A_303 = arith.constant 1120 : i32
    %add3A_304 = arith.addi %min3A_3, %add3A_303 : i32
    %dma_start3A_305 = arith.constant 4 : i32
    %dma_start3A_306 = arith.constant 0 : i32
    %dma_start3A_307 = arith.constant 0 : i32
    %dma_start3A_308 = tpu.memref_slice %arg6[%dma_start3A_305, %dma_start3A_306, %dma_start3A_307] : memref<8x56x128xf32, #tpu.memory_space<vmem>> -> memref<1x56x128xf32, #tpu.memory_space<vmem>>
    %dma_start3A_309 = tpu.memref_squeeze %dma_start3A_308 : memref<1x56x128xf32, #tpu.memory_space<vmem>> -> memref<56x128xf32, #tpu.memory_space<vmem>>
    %dma_start3A_310 = arith.constant 0 : i32
    %dma_start3A_311 = tpu.memref_slice %arg4[%add3A_304, %dma_start3A_310] : memref<50000x128xf32, #tpu.memory_space<hbm>> -> memref<56x128xf32, #tpu.memory_space<hbm>>
    %dma_start3A_312 = arith.constant 0 : i32
    %dma_start3A_313 = tpu.memref_slice %arg4[%add3A_304, %dma_start3A_312] : memref<50000x128xf32, #tpu.memory_space<hbm>> -> memref<56x128xf32, #tpu.memory_space<hbm>>
    %dma_start3A_314 = arith.constant 0 : i32
    %dma_start3A_315 = arith.constant 0 : i32
    %dma_start3A_316 = tpu.memref_slice %arg6[%dma_start3A_305, %dma_start3A_314, %dma_start3A_315] : memref<8x56x128xf32, #tpu.memory_space<vmem>> -> memref<1x56x128xf32, #tpu.memory_space<vmem>>
    %dma_start3A_317 = tpu.memref_squeeze %dma_start3A_316 : memref<1x56x128xf32, #tpu.memory_space<vmem>> -> memref<56x128xf32, #tpu.memory_space<vmem>>
    tpu.enqueue_dma source(%dma_start3A_317 : memref<56x128xf32, #tpu.memory_space<vmem>>) target(%dma_start3A_313 : memref<56x128xf32, #tpu.memory_space<hbm>>) target_semaphore(%arg19 : memref<!tpu.dma_semaphore, #tpu.memory_space<semaphore_mem>>)
    %dma_wait3A_318 = arith.constant 5 : i32
    %dma_wait3A_319 = arith.constant 0 : i32
    %dma_wait3A_320 = arith.constant 0 : i32
    %dma_wait3A_321 = tpu.memref_slice %arg6[%dma_wait3A_318, %dma_wait3A_319, %dma_wait3A_320] : memref<8x56x128xf32, #tpu.memory_space<vmem>> -> memref<1x56x128xf32, #tpu.memory_space<vmem>>
    %dma_wait3A_322 = tpu.memref_squeeze %dma_wait3A_321 : memref<1x56x128xf32, #tpu.memory_space<vmem>> -> memref<56x128xf32, #tpu.memory_space<vmem>>
    %dma_wait3A_323 = arith.constant 0 : i32
    %dma_wait3A_324 = tpu.memref_slice %arg4[%min3A_3, %dma_wait3A_323] : memref<50000x128xf32, #tpu.memory_space<hbm>> -> memref<56x128xf32, #tpu.memory_space<hbm>>
    %dma_wait3A_325 = arith.constant 0 : i32
    %dma_wait3A_326 = arith.constant 0 : i32
    %dma_wait3A_327 = tpu.memref_slice %arg6[%dma_wait3A_318, %dma_wait3A_325, %dma_wait3A_326] : memref<8x56x128xf32, #tpu.memory_space<vmem>> -> memref<1x56x128xf32, #tpu.memory_space<vmem>>
    %dma_wait3A_328 = tpu.memref_squeeze %dma_wait3A_327 : memref<1x56x128xf32, #tpu.memory_space<vmem>> -> memref<56x128xf32, #tpu.memory_space<vmem>>
    %dma_wait3A_329 = arith.constant 0 : i32
    %dma_wait3A_330 = tpu.memref_slice %arg4[%min3A_3, %dma_wait3A_329] : memref<50000x128xf32, #tpu.memory_space<hbm>> -> memref<56x128xf32, #tpu.memory_space<hbm>>
    tpu.wait_dma2 semaphore(%arg12 : memref<!tpu.dma_semaphore, #tpu.memory_space<semaphore_mem>>) src(%dma_wait3A_330 : memref<56x128xf32, #tpu.memory_space<hbm>>) dst(%dma_wait3A_328 : memref<56x128xf32, #tpu.memory_space<vmem>>)
    %add3A_331 = arith.constant 1176 : i32
    %add3A_332 = arith.addi %min3A_3, %add3A_331 : i32
    %dma_start3A_333 = arith.constant 5 : i32
    %dma_start3A_334 = arith.constant 0 : i32
    %dma_start3A_335 = arith.constant 0 : i32
    %dma_start3A_336 = tpu.memref_slice %arg6[%dma_start3A_333, %dma_start3A_334, %dma_start3A_335] : memref<8x56x128xf32, #tpu.memory_space<vmem>> -> memref<1x56x128xf32, #tpu.memory_space<vmem>>
    %dma_start3A_337 = tpu.memref_squeeze %dma_start3A_336 : memref<1x56x128xf32, #tpu.memory_space<vmem>> -> memref<56x128xf32, #tpu.memory_space<vmem>>
    %dma_start3A_338 = arith.constant 0 : i32
    %dma_start3A_339 = tpu.memref_slice %arg4[%add3A_332, %dma_start3A_338] : memref<50000x128xf32, #tpu.memory_space<hbm>> -> memref<56x128xf32, #tpu.memory_space<hbm>>
    %dma_start3A_340 = arith.constant 0 : i32
    %dma_start3A_341 = tpu.memref_slice %arg4[%add3A_332, %dma_start3A_340] : memref<50000x128xf32, #tpu.memory_space<hbm>> -> memref<56x128xf32, #tpu.memory_space<hbm>>
    %dma_start3A_342 = arith.constant 0 : i32
    %dma_start3A_343 = arith.constant 0 : i32
    %dma_start3A_344 = tpu.memref_slice %arg6[%dma_start3A_333, %dma_start3A_342, %dma_start3A_343] : memref<8x56x128xf32, #tpu.memory_space<vmem>> -> memref<1x56x128xf32, #tpu.memory_space<vmem>>
    %dma_start3A_345 = tpu.memref_squeeze %dma_start3A_344 : memref<1x56x128xf32, #tpu.memory_space<vmem>> -> memref<56x128xf32, #tpu.memory_space<vmem>>
    tpu.enqueue_dma source(%dma_start3A_345 : memref<56x128xf32, #tpu.memory_space<vmem>>) target(%dma_start3A_341 : memref<56x128xf32, #tpu.memory_space<hbm>>) target_semaphore(%arg20 : memref<!tpu.dma_semaphore, #tpu.memory_space<semaphore_mem>>)
    %dma_wait3A_346 = arith.constant 6 : i32
    %dma_wait3A_347 = arith.constant 0 : i32
    %dma_wait3A_348 = arith.constant 0 : i32
    %dma_wait3A_349 = tpu.memref_slice %arg6[%dma_wait3A_346, %dma_wait3A_347, %dma_wait3A_348] : memref<8x56x128xf32, #tpu.memory_space<vmem>> -> memref<1x56x128xf32, #tpu.memory_space<vmem>>
    %dma_wait3A_350 = tpu.memref_squeeze %dma_wait3A_349 : memref<1x56x128xf32, #tpu.memory_space<vmem>> -> memref<56x128xf32, #tpu.memory_space<vmem>>
    %dma_wait3A_351 = arith.constant 0 : i32
    %dma_wait3A_352 = tpu.memref_slice %arg4[%min3A_3, %dma_wait3A_351] : memref<50000x128xf32, #tpu.memory_space<hbm>> -> memref<56x128xf32, #tpu.memory_space<hbm>>
    %dma_wait3A_353 = arith.constant 0 : i32
    %dma_wait3A_354 = arith.constant 0 : i32
    %dma_wait3A_355 = tpu.memref_slice %arg6[%dma_wait3A_346, %dma_wait3A_353, %dma_wait3A_354] : memref<8x56x128xf32, #tpu.memory_space<vmem>> -> memref<1x56x128xf32, #tpu.memory_space<vmem>>
    %dma_wait3A_356 = tpu.memref_squeeze %dma_wait3A_355 : memref<1x56x128xf32, #tpu.memory_space<vmem>> -> memref<56x128xf32, #tpu.memory_space<vmem>>
    %dma_wait3A_357 = arith.constant 0 : i32
    %dma_wait3A_358 = tpu.memref_slice %arg4[%min3A_3, %dma_wait3A_357] : memref<50000x128xf32, #tpu.memory_space<hbm>> -> memref<56x128xf32, #tpu.memory_space<hbm>>
    tpu.wait_dma2 semaphore(%arg13 : memref<!tpu.dma_semaphore, #tpu.memory_space<semaphore_mem>>) src(%dma_wait3A_358 : memref<56x128xf32, #tpu.memory_space<hbm>>) dst(%dma_wait3A_356 : memref<56x128xf32, #tpu.memory_space<vmem>>)
    %add3A_359 = arith.constant 1232 : i32
    %add3A_360 = arith.addi %min3A_3, %add3A_359 : i32
    %dma_start3A_361 = arith.constant 6 : i32
    %dma_start3A_362 = arith.constant 0 : i32
    %dma_start3A_363 = arith.constant 0 : i32
    %dma_start3A_364 = tpu.memref_slice %arg6[%dma_start3A_361, %dma_start3A_362, %dma_start3A_363] : memref<8x56x128xf32, #tpu.memory_space<vmem>> -> memref<1x56x128xf32, #tpu.memory_space<vmem>>
    %dma_start3A_365 = tpu.memref_squeeze %dma_start3A_364 : memref<1x56x128xf32, #tpu.memory_space<vmem>> -> memref<56x128xf32, #tpu.memory_space<vmem>>
    %dma_start3A_366 = arith.constant 0 : i32
    %dma_start3A_367 = tpu.memref_slice %arg4[%add3A_360, %dma_start3A_366] : memref<50000x128xf32, #tpu.memory_space<hbm>> -> memref<56x128xf32, #tpu.memory_space<hbm>>
    %dma_start3A_368 = arith.constant 0 : i32
    %dma_start3A_369 = tpu.memref_slice %arg4[%add3A_360, %dma_start3A_368] : memref<50000x128xf32, #tpu.memory_space<hbm>> -> memref<56x128xf32, #tpu.memory_space<hbm>>
    %dma_start3A_370 = arith.constant 0 : i32
    %dma_start3A_371 = arith.constant 0 : i32
    %dma_start3A_372 = tpu.memref_slice %arg6[%dma_start3A_361, %dma_start3A_370, %dma_start3A_371] : memref<8x56x128xf32, #tpu.memory_space<vmem>> -> memref<1x56x128xf32, #tpu.memory_space<vmem>>
    %dma_start3A_373 = tpu.memref_squeeze %dma_start3A_372 : memref<1x56x128xf32, #tpu.memory_space<vmem>> -> memref<56x128xf32, #tpu.memory_space<vmem>>
    tpu.enqueue_dma source(%dma_start3A_373 : memref<56x128xf32, #tpu.memory_space<vmem>>) target(%dma_start3A_369 : memref<56x128xf32, #tpu.memory_space<hbm>>) target_semaphore(%arg21 : memref<!tpu.dma_semaphore, #tpu.memory_space<semaphore_mem>>)
    %dma_wait3A_374 = arith.constant 7 : i32
    %dma_wait3A_375 = arith.constant 0 : i32
    %dma_wait3A_376 = arith.constant 0 : i32
    %dma_wait3A_377 = tpu.memref_slice %arg6[%dma_wait3A_374, %dma_wait3A_375, %dma_wait3A_376] : memref<8x56x128xf32, #tpu.memory_space<vmem>> -> memref<1x56x128xf32, #tpu.memory_space<vmem>>
    %dma_wait3A_378 = tpu.memref_squeeze %dma_wait3A_377 : memref<1x56x128xf32, #tpu.memory_space<vmem>> -> memref<56x128xf32, #tpu.memory_space<vmem>>
    %dma_wait3A_379 = arith.constant 0 : i32
    %dma_wait3A_380 = tpu.memref_slice %arg4[%min3A_3, %dma_wait3A_379] : memref<50000x128xf32, #tpu.memory_space<hbm>> -> memref<56x128xf32, #tpu.memory_space<hbm>>
    %dma_wait3A_381 = arith.constant 0 : i32
    %dma_wait3A_382 = arith.constant 0 : i32
    %dma_wait3A_383 = tpu.memref_slice %arg6[%dma_wait3A_374, %dma_wait3A_381, %dma_wait3A_382] : memref<8x56x128xf32, #tpu.memory_space<vmem>> -> memref<1x56x128xf32, #tpu.memory_space<vmem>>
    %dma_wait3A_384 = tpu.memref_squeeze %dma_wait3A_383 : memref<1x56x128xf32, #tpu.memory_space<vmem>> -> memref<56x128xf32, #tpu.memory_space<vmem>>
    %dma_wait3A_385 = arith.constant 0 : i32
    %dma_wait3A_386 = tpu.memref_slice %arg4[%min3A_3, %dma_wait3A_385] : memref<50000x128xf32, #tpu.memory_space<hbm>> -> memref<56x128xf32, #tpu.memory_space<hbm>>
    tpu.wait_dma2 semaphore(%arg14 : memref<!tpu.dma_semaphore, #tpu.memory_space<semaphore_mem>>) src(%dma_wait3A_386 : memref<56x128xf32, #tpu.memory_space<hbm>>) dst(%dma_wait3A_384 : memref<56x128xf32, #tpu.memory_space<vmem>>)
    %add3A_387 = arith.constant 1288 : i32
    %add3A_388 = arith.addi %min3A_3, %add3A_387 : i32
    %dma_start3A_389 = arith.constant 7 : i32
    %dma_start3A_390 = arith.constant 0 : i32
    %dma_start3A_391 = arith.constant 0 : i32
    %dma_start3A_392 = tpu.memref_slice %arg6[%dma_start3A_389, %dma_start3A_390, %dma_start3A_391] : memref<8x56x128xf32, #tpu.memory_space<vmem>> -> memref<1x56x128xf32, #tpu.memory_space<vmem>>
    %dma_start3A_393 = tpu.memref_squeeze %dma_start3A_392 : memref<1x56x128xf32, #tpu.memory_space<vmem>> -> memref<56x128xf32, #tpu.memory_space<vmem>>
    %dma_start3A_394 = arith.constant 0 : i32
    %dma_start3A_395 = tpu.memref_slice %arg4[%add3A_388, %dma_start3A_394] : memref<50000x128xf32, #tpu.memory_space<hbm>> -> memref<56x128xf32, #tpu.memory_space<hbm>>
    %dma_start3A_396 = arith.constant 0 : i32
    %dma_start3A_397 = tpu.memref_slice %arg4[%add3A_388, %dma_start3A_396] : memref<50000x128xf32, #tpu.memory_space<hbm>> -> memref<56x128xf32, #tpu.memory_space<hbm>>
    %dma_start3A_398 = arith.constant 0 : i32
    %dma_start3A_399 = arith.constant 0 : i32
    %dma_start3A_400 = tpu.memref_slice %arg6[%dma_start3A_389, %dma_start3A_398, %dma_start3A_399] : memref<8x56x128xf32, #tpu.memory_space<vmem>> -> memref<1x56x128xf32, #tpu.memory_space<vmem>>
    %dma_start3A_401 = tpu.memref_squeeze %dma_start3A_400 : memref<1x56x128xf32, #tpu.memory_space<vmem>> -> memref<56x128xf32, #tpu.memory_space<vmem>>
    tpu.enqueue_dma source(%dma_start3A_401 : memref<56x128xf32, #tpu.memory_space<vmem>>) target(%dma_start3A_397 : memref<56x128xf32, #tpu.memory_space<hbm>>) target_semaphore(%arg22 : memref<!tpu.dma_semaphore, #tpu.memory_space<semaphore_mem>>)
    %dma_wait3A_402 = arith.constant 0 : i32
    %dma_wait3A_403 = arith.constant 0 : i32
    %dma_wait3A_404 = arith.constant 0 : i32
    %dma_wait3A_405 = tpu.memref_slice %arg6[%dma_wait3A_402, %dma_wait3A_403, %dma_wait3A_404] : memref<8x56x128xf32, #tpu.memory_space<vmem>> -> memref<1x56x128xf32, #tpu.memory_space<vmem>>
    %dma_wait3A_406 = tpu.memref_squeeze %dma_wait3A_405 : memref<1x56x128xf32, #tpu.memory_space<vmem>> -> memref<56x128xf32, #tpu.memory_space<vmem>>
    %dma_wait3A_407 = arith.constant 0 : i32
    %dma_wait3A_408 = tpu.memref_slice %arg4[%min3A_3, %dma_wait3A_407] : memref<50000x128xf32, #tpu.memory_space<hbm>> -> memref<56x128xf32, #tpu.memory_space<hbm>>
    %dma_wait3A_409 = arith.constant 0 : i32
    %dma_wait3A_410 = arith.constant 0 : i32
    %dma_wait3A_411 = tpu.memref_slice %arg6[%dma_wait3A_402, %dma_wait3A_409, %dma_wait3A_410] : memref<8x56x128xf32, #tpu.memory_space<vmem>> -> memref<1x56x128xf32, #tpu.memory_space<vmem>>
    %dma_wait3A_412 = tpu.memref_squeeze %dma_wait3A_411 : memref<1x56x128xf32, #tpu.memory_space<vmem>> -> memref<56x128xf32, #tpu.memory_space<vmem>>
    %dma_wait3A_413 = arith.constant 0 : i32
    %dma_wait3A_414 = tpu.memref_slice %arg4[%min3A_3, %dma_wait3A_413] : memref<50000x128xf32, #tpu.memory_space<hbm>> -> memref<56x128xf32, #tpu.memory_space<hbm>>
    tpu.wait_dma2 semaphore(%arg7 : memref<!tpu.dma_semaphore, #tpu.memory_space<semaphore_mem>>) src(%dma_wait3A_414 : memref<56x128xf32, #tpu.memory_space<hbm>>) dst(%dma_wait3A_412 : memref<56x128xf32, #tpu.memory_space<vmem>>)
    %add3A_415 = arith.constant 1344 : i32
    %add3A_416 = arith.addi %min3A_3, %add3A_415 : i32
    %dma_start3A_417 = arith.constant 0 : i32
    %dma_start3A_418 = arith.constant 0 : i32
    %dma_start3A_419 = arith.constant 0 : i32
    %dma_start3A_420 = tpu.memref_slice %arg6[%dma_start3A_417, %dma_start3A_418, %dma_start3A_419] : memref<8x56x128xf32, #tpu.memory_space<vmem>> -> memref<1x56x128xf32, #tpu.memory_space<vmem>>
    %dma_start3A_421 = tpu.memref_squeeze %dma_start3A_420 : memref<1x56x128xf32, #tpu.memory_space<vmem>> -> memref<56x128xf32, #tpu.memory_space<vmem>>
    %dma_start3A_422 = arith.constant 0 : i32
    %dma_start3A_423 = tpu.memref_slice %arg4[%add3A_416, %dma_start3A_422] : memref<50000x128xf32, #tpu.memory_space<hbm>> -> memref<56x128xf32, #tpu.memory_space<hbm>>
    %dma_start3A_424 = arith.constant 0 : i32
    %dma_start3A_425 = tpu.memref_slice %arg4[%add3A_416, %dma_start3A_424] : memref<50000x128xf32, #tpu.memory_space<hbm>> -> memref<56x128xf32, #tpu.memory_space<hbm>>
    %dma_start3A_426 = arith.constant 0 : i32
    %dma_start3A_427 = arith.constant 0 : i32
    %dma_start3A_428 = tpu.memref_slice %arg6[%dma_start3A_417, %dma_start3A_426, %dma_start3A_427] : memref<8x56x128xf32, #tpu.memory_space<vmem>> -> memref<1x56x128xf32, #tpu.memory_space<vmem>>
    %dma_start3A_429 = tpu.memref_squeeze %dma_start3A_428 : memref<1x56x128xf32, #tpu.memory_space<vmem>> -> memref<56x128xf32, #tpu.memory_space<vmem>>
    tpu.enqueue_dma source(%dma_start3A_429 : memref<56x128xf32, #tpu.memory_space<vmem>>) target(%dma_start3A_425 : memref<56x128xf32, #tpu.memory_space<hbm>>) target_semaphore(%arg15 : memref<!tpu.dma_semaphore, #tpu.memory_space<semaphore_mem>>)
    %dma_wait3A_430 = arith.constant 1 : i32
    %dma_wait3A_431 = arith.constant 0 : i32
    %dma_wait3A_432 = arith.constant 0 : i32
    %dma_wait3A_433 = tpu.memref_slice %arg6[%dma_wait3A_430, %dma_wait3A_431, %dma_wait3A_432] : memref<8x56x128xf32, #tpu.memory_space<vmem>> -> memref<1x56x128xf32, #tpu.memory_space<vmem>>
    %dma_wait3A_434 = tpu.memref_squeeze %dma_wait3A_433 : memref<1x56x128xf32, #tpu.memory_space<vmem>> -> memref<56x128xf32, #tpu.memory_space<vmem>>
    %dma_wait3A_435 = arith.constant 0 : i32
    %dma_wait3A_436 = tpu.memref_slice %arg4[%min3A_3, %dma_wait3A_435] : memref<50000x128xf32, #tpu.memory_space<hbm>> -> memref<56x128xf32, #tpu.memory_space<hbm>>
    %dma_wait3A_437 = arith.constant 0 : i32
    %dma_wait3A_438 = arith.constant 0 : i32
    %dma_wait3A_439 = tpu.memref_slice %arg6[%dma_wait3A_430, %dma_wait3A_437, %dma_wait3A_438] : memref<8x56x128xf32, #tpu.memory_space<vmem>> -> memref<1x56x128xf32, #tpu.memory_space<vmem>>
    %dma_wait3A_440 = tpu.memref_squeeze %dma_wait3A_439 : memref<1x56x128xf32, #tpu.memory_space<vmem>> -> memref<56x128xf32, #tpu.memory_space<vmem>>
    %dma_wait3A_441 = arith.constant 0 : i32
    %dma_wait3A_442 = tpu.memref_slice %arg4[%min3A_3, %dma_wait3A_441] : memref<50000x128xf32, #tpu.memory_space<hbm>> -> memref<56x128xf32, #tpu.memory_space<hbm>>
    tpu.wait_dma2 semaphore(%arg8 : memref<!tpu.dma_semaphore, #tpu.memory_space<semaphore_mem>>) src(%dma_wait3A_442 : memref<56x128xf32, #tpu.memory_space<hbm>>) dst(%dma_wait3A_440 : memref<56x128xf32, #tpu.memory_space<vmem>>)
    %add3A_443 = arith.constant 1400 : i32
    %add3A_444 = arith.addi %min3A_3, %add3A_443 : i32
    %dma_start3A_445 = arith.constant 1 : i32
    %dma_start3A_446 = arith.constant 0 : i32
    %dma_start3A_447 = arith.constant 0 : i32
    %dma_start3A_448 = tpu.memref_slice %arg6[%dma_start3A_445, %dma_start3A_446, %dma_start3A_447] : memref<8x56x128xf32, #tpu.memory_space<vmem>> -> memref<1x56x128xf32, #tpu.memory_space<vmem>>
    %dma_start3A_449 = tpu.memref_squeeze %dma_start3A_448 : memref<1x56x128xf32, #tpu.memory_space<vmem>> -> memref<56x128xf32, #tpu.memory_space<vmem>>
    %dma_start3A_450 = arith.constant 0 : i32
    %dma_start3A_451 = tpu.memref_slice %arg4[%add3A_444, %dma_start3A_450] : memref<50000x128xf32, #tpu.memory_space<hbm>> -> memref<56x128xf32, #tpu.memory_space<hbm>>
    %dma_start3A_452 = arith.constant 0 : i32
    %dma_start3A_453 = tpu.memref_slice %arg4[%add3A_444, %dma_start3A_452] : memref<50000x128xf32, #tpu.memory_space<hbm>> -> memref<56x128xf32, #tpu.memory_space<hbm>>
    %dma_start3A_454 = arith.constant 0 : i32
    %dma_start3A_455 = arith.constant 0 : i32
    %dma_start3A_456 = tpu.memref_slice %arg6[%dma_start3A_445, %dma_start3A_454, %dma_start3A_455] : memref<8x56x128xf32, #tpu.memory_space<vmem>> -> memref<1x56x128xf32, #tpu.memory_space<vmem>>
    %dma_start3A_457 = tpu.memref_squeeze %dma_start3A_456 : memref<1x56x128xf32, #tpu.memory_space<vmem>> -> memref<56x128xf32, #tpu.memory_space<vmem>>
    tpu.enqueue_dma source(%dma_start3A_457 : memref<56x128xf32, #tpu.memory_space<vmem>>) target(%dma_start3A_453 : memref<56x128xf32, #tpu.memory_space<hbm>>) target_semaphore(%arg16 : memref<!tpu.dma_semaphore, #tpu.memory_space<semaphore_mem>>)
    %dma_wait3A_458 = arith.constant 2 : i32
    %dma_wait3A_459 = arith.constant 0 : i32
    %dma_wait3A_460 = arith.constant 0 : i32
    %dma_wait3A_461 = tpu.memref_slice %arg6[%dma_wait3A_458, %dma_wait3A_459, %dma_wait3A_460] : memref<8x56x128xf32, #tpu.memory_space<vmem>> -> memref<1x56x128xf32, #tpu.memory_space<vmem>>
    %dma_wait3A_462 = tpu.memref_squeeze %dma_wait3A_461 : memref<1x56x128xf32, #tpu.memory_space<vmem>> -> memref<56x128xf32, #tpu.memory_space<vmem>>
    %dma_wait3A_463 = arith.constant 0 : i32
    %dma_wait3A_464 = tpu.memref_slice %arg4[%min3A_3, %dma_wait3A_463] : memref<50000x128xf32, #tpu.memory_space<hbm>> -> memref<56x128xf32, #tpu.memory_space<hbm>>
    %dma_wait3A_465 = arith.constant 0 : i32
    %dma_wait3A_466 = arith.constant 0 : i32
    %dma_wait3A_467 = tpu.memref_slice %arg6[%dma_wait3A_458, %dma_wait3A_465, %dma_wait3A_466] : memref<8x56x128xf32, #tpu.memory_space<vmem>> -> memref<1x56x128xf32, #tpu.memory_space<vmem>>
    %dma_wait3A_468 = tpu.memref_squeeze %dma_wait3A_467 : memref<1x56x128xf32, #tpu.memory_space<vmem>> -> memref<56x128xf32, #tpu.memory_space<vmem>>
    %dma_wait3A_469 = arith.constant 0 : i32
    %dma_wait3A_470 = tpu.memref_slice %arg4[%min3A_3, %dma_wait3A_469] : memref<50000x128xf32, #tpu.memory_space<hbm>> -> memref<56x128xf32, #tpu.memory_space<hbm>>
    tpu.wait_dma2 semaphore(%arg9 : memref<!tpu.dma_semaphore, #tpu.memory_space<semaphore_mem>>) src(%dma_wait3A_470 : memref<56x128xf32, #tpu.memory_space<hbm>>) dst(%dma_wait3A_468 : memref<56x128xf32, #tpu.memory_space<vmem>>)
    %add3A_471 = arith.constant 1456 : i32
    %add3A_472 = arith.addi %min3A_3, %add3A_471 : i32
    %dma_start3A_473 = arith.constant 2 : i32
    %dma_start3A_474 = arith.constant 0 : i32
    %dma_start3A_475 = arith.constant 0 : i32
    %dma_start3A_476 = tpu.memref_slice %arg6[%dma_start3A_473, %dma_start3A_474, %dma_start3A_475] : memref<8x56x128xf32, #tpu.memory_space<vmem>> -> memref<1x56x128xf32, #tpu.memory_space<vmem>>
    %dma_start3A_477 = tpu.memref_squeeze %dma_start3A_476 : memref<1x56x128xf32, #tpu.memory_space<vmem>> -> memref<56x128xf32, #tpu.memory_space<vmem>>
    %dma_start3A_478 = arith.constant 0 : i32
    %dma_start3A_479 = tpu.memref_slice %arg4[%add3A_472, %dma_start3A_478] : memref<50000x128xf32, #tpu.memory_space<hbm>> -> memref<56x128xf32, #tpu.memory_space<hbm>>
    %dma_start3A_480 = arith.constant 0 : i32
    %dma_start3A_481 = tpu.memref_slice %arg4[%add3A_472, %dma_start3A_480] : memref<50000x128xf32, #tpu.memory_space<hbm>> -> memref<56x128xf32, #tpu.memory_space<hbm>>
    %dma_start3A_482 = arith.constant 0 : i32
    %dma_start3A_483 = arith.constant 0 : i32
    %dma_start3A_484 = tpu.memref_slice %arg6[%dma_start3A_473, %dma_start3A_482, %dma_start3A_483] : memref<8x56x128xf32, #tpu.memory_space<vmem>> -> memref<1x56x128xf32, #tpu.memory_space<vmem>>
    %dma_start3A_485 = tpu.memref_squeeze %dma_start3A_484 : memref<1x56x128xf32, #tpu.memory_space<vmem>> -> memref<56x128xf32, #tpu.memory_space<vmem>>
    tpu.enqueue_dma source(%dma_start3A_485 : memref<56x128xf32, #tpu.memory_space<vmem>>) target(%dma_start3A_481 : memref<56x128xf32, #tpu.memory_space<hbm>>) target_semaphore(%arg17 : memref<!tpu.dma_semaphore, #tpu.memory_space<semaphore_mem>>)
    %dma_wait3A_486 = arith.constant 3 : i32
    %dma_wait3A_487 = arith.constant 0 : i32
    %dma_wait3A_488 = arith.constant 0 : i32
    %dma_wait3A_489 = tpu.memref_slice %arg6[%dma_wait3A_486, %dma_wait3A_487, %dma_wait3A_488] : memref<8x56x128xf32, #tpu.memory_space<vmem>> -> memref<1x56x128xf32, #tpu.memory_space<vmem>>
    %dma_wait3A_490 = tpu.memref_squeeze %dma_wait3A_489 : memref<1x56x128xf32, #tpu.memory_space<vmem>> -> memref<56x128xf32, #tpu.memory_space<vmem>>
    %dma_wait3A_491 = arith.constant 0 : i32
    %dma_wait3A_492 = tpu.memref_slice %arg4[%min3A_3, %dma_wait3A_491] : memref<50000x128xf32, #tpu.memory_space<hbm>> -> memref<56x128xf32, #tpu.memory_space<hbm>>
    %dma_wait3A_493 = arith.constant 0 : i32
    %dma_wait3A_494 = arith.constant 0 : i32
    %dma_wait3A_495 = tpu.memref_slice %arg6[%dma_wait3A_486, %dma_wait3A_493, %dma_wait3A_494] : memref<8x56x128xf32, #tpu.memory_space<vmem>> -> memref<1x56x128xf32, #tpu.memory_space<vmem>>
    %dma_wait3A_496 = tpu.memref_squeeze %dma_wait3A_495 : memref<1x56x128xf32, #tpu.memory_space<vmem>> -> memref<56x128xf32, #tpu.memory_space<vmem>>
    %dma_wait3A_497 = arith.constant 0 : i32
    %dma_wait3A_498 = tpu.memref_slice %arg4[%min3A_3, %dma_wait3A_497] : memref<50000x128xf32, #tpu.memory_space<hbm>> -> memref<56x128xf32, #tpu.memory_space<hbm>>
    tpu.wait_dma2 semaphore(%arg10 : memref<!tpu.dma_semaphore, #tpu.memory_space<semaphore_mem>>) src(%dma_wait3A_498 : memref<56x128xf32, #tpu.memory_space<hbm>>) dst(%dma_wait3A_496 : memref<56x128xf32, #tpu.memory_space<vmem>>)
    %add3A_499 = arith.constant 1512 : i32
    %add3A_500 = arith.addi %min3A_3, %add3A_499 : i32
    %dma_start3A_501 = arith.constant 3 : i32
    %dma_start3A_502 = arith.constant 0 : i32
    %dma_start3A_503 = arith.constant 0 : i32
    %dma_start3A_504 = tpu.memref_slice %arg6[%dma_start3A_501, %dma_start3A_502, %dma_start3A_503] : memref<8x56x128xf32, #tpu.memory_space<vmem>> -> memref<1x56x128xf32, #tpu.memory_space<vmem>>
    %dma_start3A_505 = tpu.memref_squeeze %dma_start3A_504 : memref<1x56x128xf32, #tpu.memory_space<vmem>> -> memref<56x128xf32, #tpu.memory_space<vmem>>
    %dma_start3A_506 = arith.constant 0 : i32
    %dma_start3A_507 = tpu.memref_slice %arg4[%add3A_500, %dma_start3A_506] : memref<50000x128xf32, #tpu.memory_space<hbm>> -> memref<56x128xf32, #tpu.memory_space<hbm>>
    %dma_start3A_508 = arith.constant 0 : i32
    %dma_start3A_509 = tpu.memref_slice %arg4[%add3A_500, %dma_start3A_508] : memref<50000x128xf32, #tpu.memory_space<hbm>> -> memref<56x128xf32, #tpu.memory_space<hbm>>
    %dma_start3A_510 = arith.constant 0 : i32
    %dma_start3A_511 = arith.constant 0 : i32
    %dma_start3A_512 = tpu.memref_slice %arg6[%dma_start3A_501, %dma_start3A_510, %dma_start3A_511] : memref<8x56x128xf32, #tpu.memory_space<vmem>> -> memref<1x56x128xf32, #tpu.memory_space<vmem>>
    %dma_start3A_513 = tpu.memref_squeeze %dma_start3A_512 : memref<1x56x128xf32, #tpu.memory_space<vmem>> -> memref<56x128xf32, #tpu.memory_space<vmem>>
    tpu.enqueue_dma source(%dma_start3A_513 : memref<56x128xf32, #tpu.memory_space<vmem>>) target(%dma_start3A_509 : memref<56x128xf32, #tpu.memory_space<hbm>>) target_semaphore(%arg18 : memref<!tpu.dma_semaphore, #tpu.memory_space<semaphore_mem>>)
    %dma_wait3A_514 = arith.constant 0 : i32
    %dma_wait3A_515 = arith.constant 0 : i32
    %dma_wait3A_516 = arith.constant 0 : i32
    %dma_wait3A_517 = tpu.memref_slice %arg6[%dma_wait3A_514, %dma_wait3A_515, %dma_wait3A_516] : memref<8x56x128xf32, #tpu.memory_space<vmem>> -> memref<1x56x128xf32, #tpu.memory_space<vmem>>
    %dma_wait3A_518 = tpu.memref_squeeze %dma_wait3A_517 : memref<1x56x128xf32, #tpu.memory_space<vmem>> -> memref<56x128xf32, #tpu.memory_space<vmem>>
    %dma_wait3A_519 = arith.constant 0 : i32
    %dma_wait3A_520 = tpu.memref_slice %arg4[%min3A_3, %dma_wait3A_519] : memref<50000x128xf32, #tpu.memory_space<hbm>> -> memref<56x128xf32, #tpu.memory_space<hbm>>
    %dma_wait3A_521 = arith.constant 0 : i32
    %dma_wait3A_522 = tpu.memref_slice %arg4[%min3A_3, %dma_wait3A_521] : memref<50000x128xf32, #tpu.memory_space<hbm>> -> memref<56x128xf32, #tpu.memory_space<hbm>>
    %dma_wait3A_523 = arith.constant 0 : i32
    %dma_wait3A_524 = arith.constant 0 : i32
    %dma_wait3A_525 = tpu.memref_slice %arg6[%dma_wait3A_514, %dma_wait3A_523, %dma_wait3A_524] : memref<8x56x128xf32, #tpu.memory_space<vmem>> -> memref<1x56x128xf32, #tpu.memory_space<vmem>>
    %dma_wait3A_526 = tpu.memref_squeeze %dma_wait3A_525 : memref<1x56x128xf32, #tpu.memory_space<vmem>> -> memref<56x128xf32, #tpu.memory_space<vmem>>
    tpu.wait_dma2 semaphore(%arg15 : memref<!tpu.dma_semaphore, #tpu.memory_space<semaphore_mem>>) src(%dma_wait3A_526 : memref<56x128xf32, #tpu.memory_space<vmem>>) dst(%dma_wait3A_522 : memref<56x128xf32, #tpu.memory_space<hbm>>)
    %dma_wait3A_527 = arith.constant 1 : i32
    %dma_wait3A_528 = arith.constant 0 : i32
    %dma_wait3A_529 = arith.constant 0 : i32
    %dma_wait3A_530 = tpu.memref_slice %arg6[%dma_wait3A_527, %dma_wait3A_528, %dma_wait3A_529] : memref<8x56x128xf32, #tpu.memory_space<vmem>> -> memref<1x56x128xf32, #tpu.memory_space<vmem>>
    %dma_wait3A_531 = tpu.memref_squeeze %dma_wait3A_530 : memref<1x56x128xf32, #tpu.memory_space<vmem>> -> memref<56x128xf32, #tpu.memory_space<vmem>>
    %dma_wait3A_532 = arith.constant 0 : i32
    %dma_wait3A_533 = tpu.memref_slice %arg4[%min3A_3, %dma_wait3A_532] : memref<50000x128xf32, #tpu.memory_space<hbm>> -> memref<56x128xf32, #tpu.memory_space<hbm>>
    %dma_wait3A_534 = arith.constant 0 : i32
    %dma_wait3A_535 = tpu.memref_slice %arg4[%min3A_3, %dma_wait3A_534] : memref<50000x128xf32, #tpu.memory_space<hbm>> -> memref<56x128xf32, #tpu.memory_space<hbm>>
    %dma_wait3A_536 = arith.constant 0 : i32
    %dma_wait3A_537 = arith.constant 0 : i32
    %dma_wait3A_538 = tpu.memref_slice %arg6[%dma_wait3A_527, %dma_wait3A_536, %dma_wait3A_537] : memref<8x56x128xf32, #tpu.memory_space<vmem>> -> memref<1x56x128xf32, #tpu.memory_space<vmem>>
    %dma_wait3A_539 = tpu.memref_squeeze %dma_wait3A_538 : memref<1x56x128xf32, #tpu.memory_space<vmem>> -> memref<56x128xf32, #tpu.memory_space<vmem>>
    tpu.wait_dma2 semaphore(%arg16 : memref<!tpu.dma_semaphore, #tpu.memory_space<semaphore_mem>>) src(%dma_wait3A_539 : memref<56x128xf32, #tpu.memory_space<vmem>>) dst(%dma_wait3A_535 : memref<56x128xf32, #tpu.memory_space<hbm>>)
    %dma_wait3A_540 = arith.constant 2 : i32
    %dma_wait3A_541 = arith.constant 0 : i32
    %dma_wait3A_542 = arith.constant 0 : i32
    %dma_wait3A_543 = tpu.memref_slice %arg6[%dma_wait3A_540, %dma_wait3A_541, %dma_wait3A_542] : memref<8x56x128xf32, #tpu.memory_space<vmem>> -> memref<1x56x128xf32, #tpu.memory_space<vmem>>
    %dma_wait3A_544 = tpu.memref_squeeze %dma_wait3A_543 : memref<1x56x128xf32, #tpu.memory_space<vmem>> -> memref<56x128xf32, #tpu.memory_space<vmem>>
    %dma_wait3A_545 = arith.constant 0 : i32
    %dma_wait3A_546 = tpu.memref_slice %arg4[%min3A_3, %dma_wait3A_545] : memref<50000x128xf32, #tpu.memory_space<hbm>> -> memref<56x128xf32, #tpu.memory_space<hbm>>
    %dma_wait3A_547 = arith.constant 0 : i32
    %dma_wait3A_548 = tpu.memref_slice %arg4[%min3A_3, %dma_wait3A_547] : memref<50000x128xf32, #tpu.memory_space<hbm>> -> memref<56x128xf32, #tpu.memory_space<hbm>>
    %dma_wait3A_549 = arith.constant 0 : i32
    %dma_wait3A_550 = arith.constant 0 : i32
    %dma_wait3A_551 = tpu.memref_slice %arg6[%dma_wait3A_540, %dma_wait3A_549, %dma_wait3A_550] : memref<8x56x128xf32, #tpu.memory_space<vmem>> -> memref<1x56x128xf32, #tpu.memory_space<vmem>>
    %dma_wait3A_552 = tpu.memref_squeeze %dma_wait3A_551 : memref<1x56x128xf32, #tpu.memory_space<vmem>> -> memref<56x128xf32, #tpu.memory_space<vmem>>
    tpu.wait_dma2 semaphore(%arg17 : memref<!tpu.dma_semaphore, #tpu.memory_space<semaphore_mem>>) src(%dma_wait3A_552 : memref<56x128xf32, #tpu.memory_space<vmem>>) dst(%dma_wait3A_548 : memref<56x128xf32, #tpu.memory_space<hbm>>)
    %dma_wait3A_553 = arith.constant 3 : i32
    %dma_wait3A_554 = arith.constant 0 : i32
    %dma_wait3A_555 = arith.constant 0 : i32
    %dma_wait3A_556 = tpu.memref_slice %arg6[%dma_wait3A_553, %dma_wait3A_554, %dma_wait3A_555] : memref<8x56x128xf32, #tpu.memory_space<vmem>> -> memref<1x56x128xf32, #tpu.memory_space<vmem>>
    %dma_wait3A_557 = tpu.memref_squeeze %dma_wait3A_556 : memref<1x56x128xf32, #tpu.memory_space<vmem>> -> memref<56x128xf32, #tpu.memory_space<vmem>>
    %dma_wait3A_558 = arith.constant 0 : i32
    %dma_wait3A_559 = tpu.memref_slice %arg4[%min3A_3, %dma_wait3A_558] : memref<50000x128xf32, #tpu.memory_space<hbm>> -> memref<56x128xf32, #tpu.memory_space<hbm>>
    %dma_wait3A_560 = arith.constant 0 : i32
    %dma_wait3A_561 = tpu.memref_slice %arg4[%min3A_3, %dma_wait3A_560] : memref<50000x128xf32, #tpu.memory_space<hbm>> -> memref<56x128xf32, #tpu.memory_space<hbm>>
    %dma_wait3A_562 = arith.constant 0 : i32
    %dma_wait3A_563 = arith.constant 0 : i32
    %dma_wait3A_564 = tpu.memref_slice %arg6[%dma_wait3A_553, %dma_wait3A_562, %dma_wait3A_563] : memref<8x56x128xf32, #tpu.memory_space<vmem>> -> memref<1x56x128xf32, #tpu.memory_space<vmem>>
    %dma_wait3A_565 = tpu.memref_squeeze %dma_wait3A_564 : memref<1x56x128xf32, #tpu.memory_space<vmem>> -> memref<56x128xf32, #tpu.memory_space<vmem>>
    tpu.wait_dma2 semaphore(%arg18 : memref<!tpu.dma_semaphore, #tpu.memory_space<semaphore_mem>>) src(%dma_wait3A_565 : memref<56x128xf32, #tpu.memory_space<vmem>>) dst(%dma_wait3A_561 : memref<56x128xf32, #tpu.memory_space<hbm>>)
    %dma_wait3A_566 = arith.constant 4 : i32
    %dma_wait3A_567 = arith.constant 0 : i32
    %dma_wait3A_568 = arith.constant 0 : i32
    %dma_wait3A_569 = tpu.memref_slice %arg6[%dma_wait3A_566, %dma_wait3A_567, %dma_wait3A_568] : memref<8x56x128xf32, #tpu.memory_space<vmem>> -> memref<1x56x128xf32, #tpu.memory_space<vmem>>
    %dma_wait3A_570 = tpu.memref_squeeze %dma_wait3A_569 : memref<1x56x128xf32, #tpu.memory_space<vmem>> -> memref<56x128xf32, #tpu.memory_space<vmem>>
    %dma_wait3A_571 = arith.constant 0 : i32
    %dma_wait3A_572 = tpu.memref_slice %arg4[%min3A_3, %dma_wait3A_571] : memref<50000x128xf32, #tpu.memory_space<hbm>> -> memref<56x128xf32, #tpu.memory_space<hbm>>
    %dma_wait3A_573 = arith.constant 0 : i32
    %dma_wait3A_574 = tpu.memref_slice %arg4[%min3A_3, %dma_wait3A_573] : memref<50000x128xf32, #tpu.memory_space<hbm>> -> memref<56x128xf32, #tpu.memory_space<hbm>>
    %dma_wait3A_575 = arith.constant 0 : i32
    %dma_wait3A_576 = arith.constant 0 : i32
    %dma_wait3A_577 = tpu.memref_slice %arg6[%dma_wait3A_566, %dma_wait3A_575, %dma_wait3A_576] : memref<8x56x128xf32, #tpu.memory_space<vmem>> -> memref<1x56x128xf32, #tpu.memory_space<vmem>>
    %dma_wait3A_578 = tpu.memref_squeeze %dma_wait3A_577 : memref<1x56x128xf32, #tpu.memory_space<vmem>> -> memref<56x128xf32, #tpu.memory_space<vmem>>
    tpu.wait_dma2 semaphore(%arg19 : memref<!tpu.dma_semaphore, #tpu.memory_space<semaphore_mem>>) src(%dma_wait3A_578 : memref<56x128xf32, #tpu.memory_space<vmem>>) dst(%dma_wait3A_574 : memref<56x128xf32, #tpu.memory_space<hbm>>)
    %dma_wait3A_579 = arith.constant 5 : i32
    %dma_wait3A_580 = arith.constant 0 : i32
    %dma_wait3A_581 = arith.constant 0 : i32
    %dma_wait3A_582 = tpu.memref_slice %arg6[%dma_wait3A_579, %dma_wait3A_580, %dma_wait3A_581] : memref<8x56x128xf32, #tpu.memory_space<vmem>> -> memref<1x56x128xf32, #tpu.memory_space<vmem>>
    %dma_wait3A_583 = tpu.memref_squeeze %dma_wait3A_582 : memref<1x56x128xf32, #tpu.memory_space<vmem>> -> memref<56x128xf32, #tpu.memory_space<vmem>>
    %dma_wait3A_584 = arith.constant 0 : i32
    %dma_wait3A_585 = tpu.memref_slice %arg4[%min3A_3, %dma_wait3A_584] : memref<50000x128xf32, #tpu.memory_space<hbm>> -> memref<56x128xf32, #tpu.memory_space<hbm>>
    %dma_wait3A_586 = arith.constant 0 : i32
    %dma_wait3A_587 = tpu.memref_slice %arg4[%min3A_3, %dma_wait3A_586] : memref<50000x128xf32, #tpu.memory_space<hbm>> -> memref<56x128xf32, #tpu.memory_space<hbm>>
    %dma_wait3A_588 = arith.constant 0 : i32
    %dma_wait3A_589 = arith.constant 0 : i32
    %dma_wait3A_590 = tpu.memref_slice %arg6[%dma_wait3A_579, %dma_wait3A_588, %dma_wait3A_589] : memref<8x56x128xf32, #tpu.memory_space<vmem>> -> memref<1x56x128xf32, #tpu.memory_space<vmem>>
    %dma_wait3A_591 = tpu.memref_squeeze %dma_wait3A_590 : memref<1x56x128xf32, #tpu.memory_space<vmem>> -> memref<56x128xf32, #tpu.memory_space<vmem>>
    tpu.wait_dma2 semaphore(%arg20 : memref<!tpu.dma_semaphore, #tpu.memory_space<semaphore_mem>>) src(%dma_wait3A_591 : memref<56x128xf32, #tpu.memory_space<vmem>>) dst(%dma_wait3A_587 : memref<56x128xf32, #tpu.memory_space<hbm>>)
    %dma_wait3A_592 = arith.constant 6 : i32
    %dma_wait3A_593 = arith.constant 0 : i32
    %dma_wait3A_594 = arith.constant 0 : i32
    %dma_wait3A_595 = tpu.memref_slice %arg6[%dma_wait3A_592, %dma_wait3A_593, %dma_wait3A_594] : memref<8x56x128xf32, #tpu.memory_space<vmem>> -> memref<1x56x128xf32, #tpu.memory_space<vmem>>
    %dma_wait3A_596 = tpu.memref_squeeze %dma_wait3A_595 : memref<1x56x128xf32, #tpu.memory_space<vmem>> -> memref<56x128xf32, #tpu.memory_space<vmem>>
    %dma_wait3A_597 = arith.constant 0 : i32
    %dma_wait3A_598 = tpu.memref_slice %arg4[%min3A_3, %dma_wait3A_597] : memref<50000x128xf32, #tpu.memory_space<hbm>> -> memref<56x128xf32, #tpu.memory_space<hbm>>
    %dma_wait3A_599 = arith.constant 0 : i32
    %dma_wait3A_600 = tpu.memref_slice %arg4[%min3A_3, %dma_wait3A_599] : memref<50000x128xf32, #tpu.memory_space<hbm>> -> memref<56x128xf32, #tpu.memory_space<hbm>>
    %dma_wait3A_601 = arith.constant 0 : i32
    %dma_wait3A_602 = arith.constant 0 : i32
    %dma_wait3A_603 = tpu.memref_slice %arg6[%dma_wait3A_592, %dma_wait3A_601, %dma_wait3A_602] : memref<8x56x128xf32, #tpu.memory_space<vmem>> -> memref<1x56x128xf32, #tpu.memory_space<vmem>>
    %dma_wait3A_604 = tpu.memref_squeeze %dma_wait3A_603 : memref<1x56x128xf32, #tpu.memory_space<vmem>> -> memref<56x128xf32, #tpu.memory_space<vmem>>
    tpu.wait_dma2 semaphore(%arg21 : memref<!tpu.dma_semaphore, #tpu.memory_space<semaphore_mem>>) src(%dma_wait3A_604 : memref<56x128xf32, #tpu.memory_space<vmem>>) dst(%dma_wait3A_600 : memref<56x128xf32, #tpu.memory_space<hbm>>)
    %dma_wait3A_605 = arith.constant 7 : i32
    %dma_wait3A_606 = arith.constant 0 : i32
    %dma_wait3A_607 = arith.constant 0 : i32
    %dma_wait3A_608 = tpu.memref_slice %arg6[%dma_wait3A_605, %dma_wait3A_606, %dma_wait3A_607] : memref<8x56x128xf32, #tpu.memory_space<vmem>> -> memref<1x56x128xf32, #tpu.memory_space<vmem>>
    %dma_wait3A_609 = tpu.memref_squeeze %dma_wait3A_608 : memref<1x56x128xf32, #tpu.memory_space<vmem>> -> memref<56x128xf32, #tpu.memory_space<vmem>>
    %dma_wait3A_610 = arith.constant 0 : i32
    %dma_wait3A_611 = tpu.memref_slice %arg4[%min3A_3, %dma_wait3A_610] : memref<50000x128xf32, #tpu.memory_space<hbm>> -> memref<56x128xf32, #tpu.memory_space<hbm>>
    %dma_wait3A_612 = arith.constant 0 : i32
    %dma_wait3A_613 = tpu.memref_slice %arg4[%min3A_3, %dma_wait3A_612] : memref<50000x128xf32, #tpu.memory_space<hbm>> -> memref<56x128xf32, #tpu.memory_space<hbm>>
    %dma_wait3A_614 = arith.constant 0 : i32
    %dma_wait3A_615 = arith.constant 0 : i32
    %dma_wait3A_616 = tpu.memref_slice %arg6[%dma_wait3A_605, %dma_wait3A_614, %dma_wait3A_615] : memref<8x56x128xf32, #tpu.memory_space<vmem>> -> memref<1x56x128xf32, #tpu.memory_space<vmem>>
    %dma_wait3A_617 = tpu.memref_squeeze %dma_wait3A_616 : memref<1x56x128xf32, #tpu.memory_space<vmem>> -> memref<56x128xf32, #tpu.memory_space<vmem>>
    tpu.wait_dma2 semaphore(%arg22 : memref<!tpu.dma_semaphore, #tpu.memory_space<semaphore_mem>>) src(%dma_wait3A_617 : memref<56x128xf32, #tpu.memory_space<vmem>>) dst(%dma_wait3A_613 : memref<56x128xf32, #tpu.memory_space<hbm>>)
    return
  }
}

</mosaic_0001>

<sc_bundles>
// kernel: kernel.3.cloned.1.call-start
scs
__scs_entry_jumppad:
0x0: {  	(pc) =	sbr.rel $0x88, $3  }
0x1: {  	(tag) =	ssettag $0x0;
	lr =	simm.s32 $0x1  }
0x2: {  	[smem:$0x3F9F] =	sst lr;
	_ =	strace $0xD0000000  }
0x3: {  	_ = 	snop  }
0x4: {  	_ = 	snop  }
0x5: {  	_ = 	snop  }
0x6: {  	_ = 	snop  }
0x7: {  	_ = 	snop  }
__scs_overlays_trampoline_lowered:
0x8: {  	[smem:$0x3FAE] =	sst s0  }
0x9: {  	[smem:$0x3FAF] =	sst s1  }
0xa: {  	[smem:$0x3FB0] =	sst s2  }
0xb: {  	[smem:$0x3FB1] =	sst s3  }
0xc: {  	[smem:$0x3FB2] =	sst s4  }
0xd: {  	[smem:$0x3FB3] =	sst s5  }
0xe: {  	[smem:$0x3FB4] =	sst s6  }
0xf: {  	[smem:$0x3FB5] =	sst s7  }
0x10: {  	[smem:$0x3FB6] =	sst s8  }
0x11: {  	[smem:$0x3FB7] =	sst s9;
	s0 =	simm.s32 @!p0 $0x0  }
0x12: {  	s1 =	sld [smem:$0x3F9D];
	s0 =	simm.s32 @p0 $0x1  }
0x13: {  	[smem:$0x3FB8] =	sst s0;
	s0 =	simm.s32 @!p1 $0x0  }
0x14: {  	s2 =	sld [smem:$0x3F9C];
	s0 =	simm.s32 @p1 $0x1  }
0x15: {  	[smem:$0x3FB9] =	sst s0;
	s0 =	simm.s32 @!p2 $0x0  }
0x16: {  	s3 =	sld [smem:$0x3FDB];
	s0 =	simm.s32 @p2 $0x1  }
0x17: {  	s4 =	simm.s32 $0x1BF5;
	[smem:$0x3FBB] =	sst s0  }
0x18: {  	s0 =	sld [smem:$0x3F9E];
	_ =	swait.ge [sflag:s4], $0x0  }
0x19: {  	s7 =	sld [smem:$0x3F9F]  }
0x1a: {  	s8 =	sadd.s32 $0xFFFFE003, lr  }
0x1b: {  	s9 =	sadd.s32 $0xFFFFFEF7, lr;
	s5 =	simm.s32 $0xFFFFFFFF;
	p2 =	slt.u32 s8, $0xFFFFF086  }
0x1c: {  	p1 =	slt.u32 s9, $0xF7A;
	s5 =	simm.s32 @!p2 $0x0  }
0x1d: {  	s5 =	simm.s32 @p1 $0x1;
	p0 =	seq.s32 s7, s2  }
0x1e: {  	s7 =	smul.u32 @!p0 $0xF7A, s2;
	p2 =	seq.s32 @!p0 s5, $0x0  }
0x1f: {  	s9 =	smul.u32 $0xF7A, s1;
	s8 =	simm.s32 @!p0 $0x1BF5;
	p2 =	por !p2, p0  }
0x20: {  	[sflag:s8] =	ssyncset.s32 @!p0 $0xFFFFF086;
	s6 =	sadd.s32 @!p0 s3, s7;
	s7 =	simm.s32 @!p0 $0x108  }
0x21: {  	s3 =	sadd.s32 s3, s9;
	s6 =	sadd.s32 @!p0 $0x88, s6;
	s7 =	simm.s32 @p2 $0x1082  }
0x22: {  	[simem:s7], [sflag:s8] =	dma.local @!p0 [hbm:s6], $0xF7A  }
0x23: {  	s9 =	sor.u32 $0xD0000000, s2;
	s6 =	simm.s32 $0x108;
	_ =	swait.ge @!p0 [sflag:s8], $0x0  }
0x24: {  	s3 =	sadd.s32 $0x88, s3;
	s6 =	simm.s32 @!p1 $0x1082;
	[sflag:s4] =	ssyncset.s32 $0xFFFFF086  }
0x25: {  	[simem:s6], [sflag:s4] =	dma.local [hbm:s3], $0xF7A  }
0x26: {  	[smem:$0x3F9F] =	sst s1;
	(tag) =	ssettag s2;
	_ =	strace s9  }
0x27: {  	s1 =	sld [smem:$0x3FAF]  }
0x28: {  	s2 =	sld [smem:$0x3FB0]  }
0x29: {  	s4 =	sld [smem:$0x3FB2]  }
0x2a: {  	p0 =	seq.s32 s5, $0x0;
	s5 =	sld [smem:$0x3FB3]  }
0x2b: {  	s6 =	sld [smem:$0x3FB4]  }
0x2c: {  	s7 =	sld [smem:$0x3FB5]  }
0x2d: {  	s3 =	simm.s32 $0x108;
	s8 =	sld [smem:$0x3FB6]  }
0x2e: {  	s3 =	simm.s32 @!p0 $0x1082;
	s9 =	sld [smem:$0x3FB7]  }
0x2f: {  	lr =	sadd.s32 s0, s3;
	s0 =	sld [smem:$0x3FAE]  }
0x30: {  	s3 =	sld [smem:$0x3FB1]  }
0x31: {  	[smem:$0x3FBA] =	sst s10  }
0x32: {  	s10 =	sld [smem:$0x3FB8];
	_ =	sdelay $0x3  }
0x33: {  	p0 =	seq.s32 s10, $0x1;
	s10 =	sld [smem:$0x3FBA];
	_ =	sdelay $0x3  }
0x34: {  	[smem:$0x3FBA] =	sst s10  }
0x35: {  	s10 =	sld [smem:$0x3FB9];
	_ =	sdelay $0x3  }
0x36: {  	p1 =	seq.s32 s10, $0x1;
	s10 =	sld [smem:$0x3FBA];
	_ =	sdelay $0x3  }
0x37: {  	[smem:$0x3FBA] =	sst s10  }
0x38: {  	s10 =	sld [smem:$0x3FBB]  }
0x39: {  	_ = 	snop;
	(pc) =	sbr.ind lr, $3  }
0x3a: {  	_ = 	snop  }
0x3b: {  	_ = 	snop  }
0x3c: {  	p2 =	seq.s32 s10, $0x1;
	s10 =	sld [smem:$0x3FBA]  }
0x3d: {  	_ =	shalt  }
0x3e: {  	_ =	shalt  }
0x3f: {  	_ =	shalt  }
0x40: {  	_ =	shalt  }
0x41: {  	_ =	shalt  }
0x42: {  	_ =	shalt  }
0x43: {  	_ =	shalt  }
0x44: {  	_ =	shalt  }
0x45: {  	_ =	shalt  }
0x46: {  	_ =	shalt  }
0x47: {  	_ =	shalt  }
0x48: {  	_ =	shalt  }
0x49: {  	_ =	shalt  }
0x4a: {  	_ =	shalt  }
0x4b: {  	_ =	shalt  }
0x4c: {  	_ =	shalt  }
0x4d: {  	_ =	shalt  }
0x4e: {  	_ =	shalt  }
0x4f: {  	_ =	shalt  }
0x50: {  	_ =	shalt  }
0x51: {  	_ =	shalt  }
0x52: {  	_ =	shalt  }
0x53: {  	_ =	shalt  }
0x54: {  	_ =	shalt  }
0x55: {  	_ =	shalt  }
0x56: {  	_ =	shalt  }
0x57: {  	_ =	shalt  }
0x58: {  	_ =	shalt  }
0x59: {  	_ =	shalt  }
0x5a: {  	_ =	shalt  }
0x5b: {  	_ =	shalt  }
0x5c: {  	_ =	shalt  }
0x5d: {  	_ =	shalt  }
0x5e: {  	_ =	shalt  }
0x5f: {  	_ =	shalt  }
0x60: {  	_ =	shalt  }
0x61: {  	_ =	shalt  }
0x62: {  	_ =	shalt  }
0x63: {  	_ =	shalt  }
0x64: {  	_ =	shalt  }
0x65: {  	_ =	shalt  }
0x66: {  	_ =	shalt  }
0x67: {  	_ =	shalt  }
0x68: {  	_ =	shalt  }
0x69: {  	_ =	shalt  }
0x6a: {  	_ =	shalt  }
0x6b: {  	_ =	shalt  }
0x6c: {  	_ =	shalt  }
0x6d: {  	_ =	shalt  }
0x6e: {  	_ =	shalt  }
0x6f: {  	_ =	shalt  }
0x70: {  	_ =	shalt  }
0x71: {  	_ =	shalt  }
0x72: {  	_ =	shalt  }
0x73: {  	_ =	shalt  }
0x74: {  	_ =	shalt  }
0x75: {  	_ =	shalt  }
0x76: {  	_ =	shalt  }
0x77: {  	_ =	shalt  }
0x78: {  	_ =	shalt  }
0x79: {  	_ =	shalt  }
0x7a: {  	_ =	shalt  }
0x7b: {  	_ =	shalt  }
0x7c: {  	_ =	shalt  }
0x7d: {  	_ =	shalt  }
0x7e: {  	_ =	shalt  }
0x7f: {  	_ =	shalt  }
0x80: {  	_ =	shalt  }
0x81: {  	_ =	shalt  }
0x82: {  	_ =	shalt  }
0x83: {  	_ =	shalt  }
0x84: {  	_ =	shalt  }
0x85: {  	_ =	shalt  }
0x86: {  	_ =	shalt  }
0x87: {  	_ =	shalt  }
.Lfunc_end0:
.L_simem_size_0:
called_computation_lowered:
.L_overlay_start_0:
0x88: {  	s2 =	sld [smem:$0x3FD9]  }
0x89: {  	s3 =	sld [smem:$0x3FFE];
	_ =	sdelay $0x1  }
0x8a: {  	s1 =	srdreg.scid  }
0x8b: {  	s0 =	sand.u32 $0x1, s1  }
0x8c: {  	s17 =	sshll.u32 s0, $0xA;
	s2 =	sadd.s32 s3, s2  }
0x8d: {  	s2 =	sadd.s32 s2, s17  }
0x8e: {  	[smem:$0x3FC6] =	sst s2  }
0x8f: {  	_ = 	snop  }
0x90: {  	s2 =	sld [smem:$0x3FC9]  }
0x91: {  	s18 =	sld [smem:$0x3FD0];
	(tm) =	ssettm $0x1  }
0x92: {  	s4 =	sld [smem:$0x3FFB];
	_ =	sdelay $0x3  }
0x93: {  	_ =	strace s4  }
0x94: {  	s4 =	sld [smem:$0x3FFC];
	_ =	sdelay $0x3  }
0x95: {  	_ =	strace s4  }
0x96: {  	s4 =	sld [smem:$0x3FFD];
	_ =	sdelay $0x3  }
0x97: {  	_ =	strace s4  }
0x98: {  	_ =	strace $0x8FFFFFFF  }
0x99: {  	s19 =	sld [smem:$0x3FDB];
	_ =	sdelay $0x1  }
0x9a: {  	s5 =	simm.s32 $_scs_section_size  }
0x9b: {  	s6 =	simm.s32 $_size__tile_overlayer_lowered;
	s7 =	simm.s32 $_tile_overlayer_lowered  }
0x9c: {  	s22 =	simm.s32 $0x1BFF;
	s21 =	sshll.u32 s7, $0x1;
	s4 =	sadd.s32 s5, s19  }
0x9d: {  	s8 =	simm.s32 $0x0;
	s20 =	sshll.u32 s6, $0x1;
	s6 =	sadd.s32 s21, s4  }
0x9e: {  	[timem:s8], [sflag:s22] =	dma.local [hbm:s6], s20  }
0x9f: {  	_ =	swait.ge [sflag:s22], s20  }
0xa0: {  	s5 =	ssub.s32 $0x0, s20;
	[sflag:s22] =	ssyncset.done $0x0  }
0xa1: {  	[sflag:s22] =	ssyncadd.s32 s5;
	_ =	sdelay $0x1  }
0xa2: {  	s23 =	simm.s32 $0x1B8B  }
0xa3: {  	_ =	swait.ge [sflag:s23], $0x1  }
0xa4: {  	[sflag:s23] =	ssyncset.done $0x0  }
0xa5: {  	s25 =	simm.s32 $0x1B8E;
	s24 =	sld [smem:$0x3FFE];
	[sflag:s23] =	ssyncadd.s32 $0xFFFFFFFF  }
0xa6: {  	s26 =	simm.s32 $execute0_lowered;
	[smem:$0x3FD2] =	sst s25  }
0xa7: {  	s6 =	sshll.u32 s26, $0x1;
	_ =	strace $0x80000046;
	[dreg:$0x1] =	wrdreg $0xFFFFFFFF  }
0xa8: {  	s28 =	simm.s32 $_size_execute0_lowered;
	s4 =	sadd.s32 s4, s6;
	[dreg:$0x0] =	wrdreg $0x0  }
0xa9: {  	s6 =	sshll.u32 s28, $0x1;
	[dreg:$0x2] =	wrdreg s4  }
0xaa: {  	[dreg:$0x3] =	wrdreg s6  }
0xab: {  	[dreg:$0x4] =	wrdreg $0xC0  }
0xac: {  	_ =	task [dreg:s8], $0x5FFFF  }
0xad: {  	[dreg:$0x1] =	wrdreg $0xFFFFFFFF  }
0xae: {  	[dreg:$0x0] =	wrdreg $0x60  }
0xaf: {  	[dreg:$0x2] =	wrdreg s2  }
0xb0: {  	[dreg:$0x3] =	wrdreg s24  }
0xb1: {  	[dreg:$0x4] =	wrdreg s18  }
0xb2: {  	[dreg:$0x5] =	wrdreg $0x9  }
0xb3: {  	_ =	task.clear_ibuf [dreg:s8], $0x6FFFF;
	_ =	strace $0x90000046  }
0xb4: {  	s29 =	simm.s32 $0x9;
	_ =	strace $0x80000048  }
0xb5: {  	_ =	swait.ge [sflag:s29], $0x1  }
0xb6: {  	[sflag:s29] =	ssyncadd.s32 $0xFFFFFFFF  }
0xb7: {  	_ =	strace $0x90000048  }
0xb8: {  	_ =	sfence  }
0xb9: {  	s30 =	sld [smem:$0x0];
	_ =	sdelay $0x2  }
0xba: {  	s31 =	sshll.u32 s1, $0xD;
	s1 =	sshrl.u32 s1, $0x2  }
0xbb: {  	s3 =	sand.u32 $0x4000, s31;
	s1 =	sadd.s32 s1, s30  }
0xbc: {  	s0 =	sor.u32 s3, s0;
	s1 =	sshll.u32 s1, $0x11  }
0xbd: {  	s0 =	sor.u32 s1, s0  }
0xbe: {  	s0 =	sadd.s32 $0x8F2B, s0  }
0xbf: {  	[sflag:s0] =	ssyncadd.remote.s32 $0x1  }
0xc0: {  	_ =	sfence.sel $0xFFFF  }
0xc1: {  	[dreg:$0x0] =	wrdreg $0xFFFFFFFF;
	(pc) =	sbr.abs _section_cstart, $3  }
0xc2: {  	[dreg:$0x1] =	wrdreg $0xFFFFFFFF  }
0xc3: {  	_ =	task.clear_ibuf [dreg:s8], $0x2FFFF;
	_ =	strace $0x9FFFFFFF  }
0xc4: {  	(tm) =	ssettm $0x7FFFFFFF  }
0xc5: {  	_ =	shalt  }
tec
execute0_lowered:
.L_overlay_start_1:
0x0: {  	(tag) =	ssettag $0x1  }
0x1: {  	s0 =	srdreg.scid;
	s2 =	stileid.u32  }
0x2: {  	s0 =	sand.u32 $0x1, s0;
	s2 =	sshll.u32 s2, $0x1  }
0x3: {  	s1 =	rddreg [dreg:$0x0];
	s2 =	sor.u32 s0, s2;
	s0 =	ssub.s32 $0x2, s0  }
0x4: {  	s5 =	rddreg [dreg:$0x1];
	s2 =	smul.u32 $0x620, s2;
	s7 =	sshrl.u32 s0, $0x1  }
0x5: {  	s3 =	rddreg [dreg:$0x2];
	s4 =	simm.s32 $0x0;
	s0 =	ssub.s32 s0, s7  }
0x6: {  	[smem:$0x7FF] =	sst s4;
	s12 =	smin.u32 s2, $0xBD30;
	s0 =	smax.u32 s0, $0x1  }
0x7: {  	_ =	strace $0x80000047;
	s10 =	sadd.s32 $0x70, s12;
	[dreg:$0x15] =	wrdreg s0  }
0x8: {  	s11 =	sadd.s32 $0xA8, s12;
	[dreg:$0x6] =	wrdreg s10  }
0x9: {  	s13 =	sadd.s32 $0xE0, s12;
	[dreg:$0x7] =	wrdreg s11  }
0xa: {  	s15 =	sadd.s32 $0x118, s12;
	[dreg:$0x8] =	wrdreg s13  }
0xb: {  	s6 =	sshrl.u32 s12, $0x3;
	s16 =	sadd.s32 $0x150, s12;
	[dreg:$0x9] =	wrdreg s15  }
0xc: {  	s9 =	sshll.u32 s12, $0x4;
	s8 =	sadd.s32 s5, s6;
	[dreg:$0xa] =	wrdreg s16  }
0xd: {  	s29 =	simm.s32 $0x38;
	s2 =	sadd.s32 s3, s9;
	[dreg:$0x4] =	wrdreg s8  }
0xe: {  	s28 =	simm.s32 $0x2;
	s17 =	sadd.s32 $0x3B80, s2;
	[dreg:$0x5] =	wrdreg s2  }
0xf: {  	s7 =	simm.s32 $0x9280;
	s18 =	sadd.s32 $0x3F00, s2;
	[dreg:$0xb] =	wrdreg s17  }
0x10: {  	s14 =	sadd.s32 $0x38, s12;
	s19 =	sadd.s32 $0x4280, s2;
	[dreg:$0xc] =	wrdreg s18  }
0x11: {  	s30 =	sadd.s32 $0x188, s12;
	s20 =	sadd.s32 $0x4600, s2;
	[dreg:$0xd] =	wrdreg s19  }
0x12: {  	s11 =	simm.s32 $0x3E80;
	s21 =	sadd.s32 $0x4980, s2;
	[dreg:$0xe] =	wrdreg s20  }
0x13: {  	s13 =	simm.s32 $0x5A80;
	s22 =	sadd.s32 $0x4D00, s2;
	[dreg:$0xf] =	wrdreg s21  }
0x14: {  	s16 =	simm.s32 $0x1;
	s23 =	sadd.s32 $0x5080, s2;
	[dreg:$0x10] =	wrdreg s22  }
0x15: {  	s5 =	simm.s32 $0x0;
	s24 =	sadd.s32 $0x5400, s2;
	[dreg:$0x11] =	wrdreg s23  }
0x16: {  	s9 =	simm.s32 $0x4;
	s25 =	sadd.s32 $0x5780, s2;
	[dreg:$0x12] =	wrdreg s24  }
0x17: {  	s10 =	simm.s32 $0xC;
	s26 =	sadd.s32 $0x5B00, s2;
	[dreg:$0x13] =	wrdreg s25  }
0x18: {  	s31 =	sadd.s32 $0x5E80, s2;
	s2 =	simm.s32 $0x2280;
	[dreg:$0x14] =	wrdreg s26  }
0x19: {  	s8 =	simm.s32 $0xB;
	[dreg:$0x16] =	wrdreg s31;
	s19 =	simm.s32 $0x7680  }
0x1a: {  	s20 =	simm.s32 $0xAE80;
	s17 =	simm.s32 $0xCA80;
	s26 =	simm.s32 $0x9  }
0x1b: {  	s23 =	simm.s32 $0x6;
	s25 =	simm.s32 $0x7;
	s22 =	simm.s32 $0x8  }
0x1c: {  	s21 =	simm.s32 $0x5;
	s18 =	simm.s32 $0xA;
	s24 =	simm.s32 $0xE  }
.LBB2_1:
0x1d: {  	[dreg:$0x17] =	wrdreg s5  }
0x1e: {  	s6 =	rddreg [dreg:$0x4];
	s0 =	simm.s32 $0x11  }
0x1f: {  	[tilespmem:s4], [sflag:$0x11] =	stream.linear.gather [hbm4b:s6+s4], $0x620, $0x38;
	[tilespmem:$0xE680] =	vst v63  }
0x20: {  	_ =	swait.ge [sflag:s0], $0x620  }
0x21: {  	[sflag:s0] =	ssyncset.done $0x0  }
0x22: {  	[sflag:s0] =	ssyncadd.s32 $0xFFFFF9E0;
	s0 =	simm.s32 $0x680  }
0x23: {  	[tilespmem:s0], [sflag:$0x1] =	stream.indirect.gather [hbm4b:s1+s29], $0x80, s4, s29, $0xb8;
	[tilespmem:$0xE680] =	vst v63  }
0x24: {  	_ = 	snop  }
0x25: {  	[tilespmem:s2], [sflag:$0x2] =	stream.indirect.gather [hbm4b:s1+s29], $0x80, s29, s29, $0xb8;
	[tilespmem:$0xE680] =	vst v63  }
0x26: {  	s5 =	simm.s32 $0x70  }
0x27: {  	[tilespmem:s11], [sflag:$0x3] =	stream.indirect.gather [hbm4b:s1+s29], $0x80, s5, s29, $0xb8;
	[tilespmem:$0xE680] =	vst v63  }
0x28: {  	s6 =	simm.s32 $0xA8  }
0x29: {  	[tilespmem:s13], [sflag:$0x4] =	stream.indirect.gather [hbm4b:s1+s29], $0x80, s6, s29, $0xb8;
	[tilespmem:$0xE680] =	vst v63  }
0x2a: {  	s11 =	simm.s32 $0xE0  }
0x2b: {  	[tilespmem:s19], [sflag:$0x5] =	stream.indirect.gather [hbm4b:s1+s29], $0x80, s11, s29, $0xb8;
	[tilespmem:$0xE680] =	vst v63  }
0x2c: {  	s13 =	simm.s32 $0x118  }
0x2d: {  	[tilespmem:s7], [sflag:$0x6] =	stream.indirect.gather [hbm4b:s1+s29], $0x80, s13, s29, $0xb8;
	[tilespmem:$0xE680] =	vst v63  }
0x2e: {  	s15 =	simm.s32 $0x150  }
0x2f: {  	[tilespmem:s20], [sflag:$0x7] =	stream.indirect.gather [hbm4b:s1+s29], $0x80, s15, s29, $0xb8;
	[tilespmem:$0xE680] =	vst v63  }
0x30: {  	s19 =	simm.s32 $0x188  }
0x31: {  	[tilespmem:s17], [sflag:$0x8] =	stream.indirect.gather [hbm4b:s1+s29], $0x80, s19, s29, $0xb8;
	[tilespmem:$0xE680] =	vst v63  }
0x32: {  	_ =	swait.ge [sflag:s16], $0x1C00  }
0x33: {  	s20 =	rddreg [dreg:$0x5]  }
0x34: {  	s31 =	rddreg [dreg:$0x6]  }
0x35: {  	s15 =	rddreg [dreg:$0x7]  }
0x36: {  	[sflag:s16] =	ssyncset.done $0x0;
	s2 =	rddreg [dreg:$0xa]  }
0x37: {  	p0 =	por $0x1, $0x1;
	[sflag:s16] =	ssyncadd.s32 $0xFFFFE400;
	s16 =	rddreg [dreg:$0x9]  }
0x38: {  	[hbm4b:s20+s4] =	stream.linear.scatter [tilespmem:s0], [sflag:$0x9], $0x1C00, $0x38;
	[tilespmem:$0xE680] =	vst v63  }
0x39: {  	s5 =	simm.s32 $0x3;
	s13 =	simm.s32 $0x0;
	s0 =	rddreg [dreg:$0x8]  }
.LBB2_2:
0x3a: {  	_ =	swait.ge [sflag:s26], $0x1C00;
	s6 =	smov.u32 s12;
	s12 =	smul.u32 $0x1C0, s13  }
0x3b: {  	s17 =	smov.u32 s30;
	[sflag:s26] =	ssyncset.done $0x0  }
0x3c: {  	[sflag:s26] =	ssyncadd.s32 $0xFFFFE400;
	s11 =	sadd.s32 $0x1C0, s12;
	s26 =	simm.s32 $0x680  }
0x3d: {  	[tilespmem:s26], [sflag:$0x1] =	stream.indirect.gather [hbm4b:s1+s29], $0x80, s11, s29, $0xb8;
	[tilespmem:$0xE680] =	vst v63  }
0x3e: {  	s30 =	smov.u32 s14;
	s19 =	sadd.s32 s12, s14;
	_ =	swait.ge [sflag:s28], $0x1C00  }
0x3f: {  	s20 =	smul.u32 $0x700, s13;
	s14 =	sshll.u32 s19, $0x4;
	[sflag:s28] =	ssyncset.done $0x0  }
0x40: {  	s19 =	simm.s32 $0x2280;
	s14 =	sadd.s32 s3, s14;
	[sflag:s28] =	ssyncadd.s32 $0xFFFFE400  }
0x41: {  	[hbm4b:s14+s4] =	stream.linear.scatter [tilespmem:s19], [sflag:$0xA], $0x1C00, $0x38;
	[tilespmem:$0xE680] =	vst v63  }
0x42: {  	_ =	swait.ge [sflag:s18], $0x1C00  }
0x43: {  	s13 =	sshra.s32 s20, $0x2;
	[sflag:s18] =	ssyncset.done $0x0  }
0x44: {  	s7 =	sadd.s32 $0x1F8, s13;
	[sflag:s18] =	ssyncadd.s32 $0xFFFFE400  }
0x45: {  	[tilespmem:s19], [sflag:$0x2] =	stream.indirect.gather [hbm4b:s1+s29], $0x80, s7, s29, $0xb8;
	[tilespmem:$0xE680] =	vst v63  }
0x46: {  	s19 =	sadd.s32 s12, s31;
	_ =	swait.ge [sflag:s5], $0x1C00  }
0x47: {  	s14 =	sshll.u32 s19, $0x4;
	[sflag:s5] =	ssyncset.done $0x0  }
0x48: {  	s20 =	simm.s32 $0x3E80;
	s14 =	sadd.s32 s3, s14;
	[sflag:s5] =	ssyncadd.s32 $0xFFFFE400  }
0x49: {  	[hbm4b:s14+s4] =	stream.linear.scatter [tilespmem:s20], [sflag:$0xB], $0x1C00, $0x38;
	[tilespmem:$0xE680] =	vst v63  }
0x4a: {  	_ =	swait.ge [sflag:s8], $0x1C00  }
0x4b: {  	[sflag:s8] =	ssyncset.done $0x0  }
0x4c: {  	s7 =	sadd.s32 $0x230, s13;
	[sflag:s8] =	ssyncadd.s32 $0xFFFFE400  }
0x4d: {  	[tilespmem:s20], [sflag:$0x3] =	stream.indirect.gather [hbm4b:s1+s29], $0x80, s7, s29, $0xb8;
	[tilespmem:$0xE680] =	vst v63  }
0x4e: {  	s20 =	sadd.s32 s12, s15;
	_ =	swait.ge [sflag:s9], $0x1C00  }
0x4f: {  	s14 =	sshll.u32 s20, $0x4;
	[sflag:s9] =	ssyncset.done $0x0  }
0x50: {  	s7 =	simm.s32 $0x5A80;
	s14 =	sadd.s32 s3, s14;
	[sflag:s9] =	ssyncadd.s32 $0xFFFFE400  }
0x51: {  	[hbm4b:s14+s4] =	stream.linear.scatter [tilespmem:s7], [sflag:$0xC], $0x1C00, $0x38;
	[tilespmem:$0xE680] =	vst v63  }
0x52: {  	_ =	swait.ge [sflag:s10], $0x1C00  }
0x53: {  	[sflag:s10] =	ssyncset.done $0x0  }
0x54: {  	s20 =	sadd.s32 $0x268, s13;
	[sflag:s10] =	ssyncadd.s32 $0xFFFFE400  }
0x55: {  	[tilespmem:s7], [sflag:$0x4] =	stream.indirect.gather [hbm4b:s1+s29], $0x80, s20, s29, $0xb8;
	[tilespmem:$0xE680] =	vst v63  }
0x56: {  	s7 =	sadd.s32 s12, s0;
	_ =	swait.ge [sflag:s21], $0x1C00  }
0x57: {  	s19 =	simm.s32 $0xD;
	s14 =	sshll.u32 s7, $0x4;
	[sflag:s21] =	ssyncset.done $0x0  }
0x58: {  	s7 =	simm.s32 $0x7680;
	s14 =	sadd.s32 s3, s14;
	[sflag:s21] =	ssyncadd.s32 $0xFFFFE400  }
0x59: {  	[hbm4b:s14+s4] =	stream.linear.scatter [tilespmem:s7], [sflag:$0xD], $0x1C00, $0x38;
	[tilespmem:$0xE680] =	vst v63  }
0x5a: {  	_ =	swait.ge [sflag:s19], $0x1C00  }
0x5b: {  	[sflag:s19] =	ssyncset.done $0x0  }
0x5c: {  	s20 =	sadd.s32 $0x2A0, s13;
	[sflag:s19] =	ssyncadd.s32 $0xFFFFE400  }
0x5d: {  	[tilespmem:s7], [sflag:$0x5] =	stream.indirect.gather [hbm4b:s1+s29], $0x80, s20, s29, $0xb8;
	[tilespmem:$0xE680] =	vst v63  }
0x5e: {  	s7 =	sadd.s32 s12, s16;
	_ =	swait.ge [sflag:s23], $0x1C00  }
0x5f: {  	s14 =	sshll.u32 s7, $0x4;
	[sflag:s23] =	ssyncset.done $0x0  }
0x60: {  	s20 =	simm.s32 $0x9280;
	s14 =	sadd.s32 s3, s14;
	[sflag:s23] =	ssyncadd.s32 $0xFFFFE400  }
0x61: {  	[hbm4b:s14+s4] =	stream.linear.scatter [tilespmem:s20], [sflag:$0xE], $0x1C00, $0x38;
	[tilespmem:$0xE680] =	vst v63  }
0x62: {  	_ =	swait.ge [sflag:s24], $0x1C00  }
0x63: {  	[sflag:s24] =	ssyncset.done $0x0  }
0x64: {  	s14 =	sadd.s32 $0x2D8, s13;
	[sflag:s24] =	ssyncadd.s32 $0xFFFFE400  }
0x65: {  	[tilespmem:s20], [sflag:$0x6] =	stream.indirect.gather [hbm4b:s1+s29], $0x80, s14, s29, $0xb8;
	[tilespmem:$0xE680] =	vst v63  }
0x66: {  	s20 =	sadd.s32 s12, s2;
	_ =	swait.ge [sflag:s25], $0x1C00  }
0x67: {  	s28 =	simm.s32 $0xAE80;
	s14 =	sshll.u32 s20, $0x4;
	[sflag:s25] =	ssyncset.done $0x0  }
0x68: {  	s20 =	simm.s32 $0xF;
	s14 =	sadd.s32 s3, s14;
	[sflag:s25] =	ssyncadd.s32 $0xFFFFE400  }
0x69: {  	[hbm4b:s14+s4] =	stream.linear.scatter [tilespmem:s28], [sflag:$0xF], $0x1C00, $0x38;
	[tilespmem:$0xE680] =	vst v63  }
0x6a: {  	_ =	swait.ge [sflag:s20], $0x1C00  }
0x6b: {  	s12 =	sadd.s32 s12, s17;
	[sflag:s20] =	ssyncset.done $0x0  }
0x6c: {  	s12 =	sshll.u32 s12, $0x4;
	s14 =	sadd.s32 $0x310, s13;
	[sflag:s20] =	ssyncadd.s32 $0xFFFFE400  }
0x6d: {  	[tilespmem:s28], [sflag:$0x7] =	stream.indirect.gather [hbm4b:s1+s29], $0x80, s14, s29, $0xb8;
	[tilespmem:$0xE680] =	vst v63  }
0x6e: {  	s12 =	sadd.s32 s3, s12;
	_ =	swait.ge [sflag:s22], $0x1C00  }
0x6f: {  	s14 =	smov.u32 s30;
	s30 =	smov.u32 s17;
	[sflag:s22] =	ssyncset.done $0x0  }
0x70: {  	s28 =	simm.s32 $0xCA80;
	s17 =	simm.s32 $0x10;
	[sflag:s22] =	ssyncadd.s32 $0xFFFFE400  }
0x71: {  	[hbm4b:s12+s4] =	stream.linear.scatter [tilespmem:s28], [sflag:$0x10], $0x1C00, $0x38;
	[tilespmem:$0xE680] =	vst v63  }
0x72: {  	_ =	swait.ge [sflag:s17], $0x1C00  }
0x73: {  	p1 =	por p0, p0;
	[sflag:s17] =	ssyncset.done $0x0  }
0x74: {  	s11 =	sadd.s32 s6, s11;
	s13 =	sadd.s32 $0x348, s13;
	[sflag:s17] =	ssyncadd.s32 $0xFFFFE400  }
0x75: {  	[tilespmem:s28], [sflag:$0x8] =	stream.indirect.gather [hbm4b:s1+s29], $0x80, s13, s29, $0xb8;
	[tilespmem:$0xE680] =	vst v63  }
0x76: {  	p0 =	por $0x0, $0x0;
	s11 =	sshll.u32 s11, $0x4;
	s13 =	simm.s32 $0x1  }
.Ltmp0:
0x77: {  	s11 =	sadd.s32 s3, s11;
	_ =	swait.ge [sflag:s13], $0x1C00;
	(pc) =	sbr.rel @p1 .LBB2_2-.Ltmp0, $4  }
0x78: {  	s19 =	simm.s32 $0x7680;
	s7 =	simm.s32 $0x9280;
	[sflag:s13] =	ssyncset.done $0x0  }
0x79: {  	s20 =	simm.s32 $0xAE80;
	s12 =	smov.u32 s6;
	[sflag:s13] =	ssyncadd.s32 $0xFFFFE400  }
0x7a: {  	[hbm4b:s11+s4] =	stream.linear.scatter [tilespmem:s26], [sflag:$0x9], $0x1C00, $0x38;
	[tilespmem:$0xE680] =	vst v63  }
0x7b: {  	s17 =	simm.s32 $0xCA80;
	s28 =	simm.s32 $0x2;
	s26 =	simm.s32 $0x9  }
0x7c: {  	_ =	swait.ge [sflag:s26], $0x1C00  }
0x7d: {  	[sflag:s26] =	ssyncset.done $0x0  }
0x7e: {  	s2 =	simm.s32 $0x680;
	s0 =	simm.s32 $0x540;
	[sflag:s26] =	ssyncadd.s32 $0xFFFFE400  }
0x7f: {  	[tilespmem:s2], [sflag:$0x1] =	stream.indirect.gather [hbm4b:s1+s29], $0x80, s0, s29, $0xb8;
	[tilespmem:$0xE680] =	vst v63  }
0x80: {  	_ =	swait.ge [sflag:s28], $0x1C00  }
0x81: {  	[sflag:s28] =	ssyncset.done $0x0  }
0x82: {  	s6 =	simm.s32 $0x2280;
	s13 =	rddreg [dreg:$0xb];
	[sflag:s28] =	ssyncadd.s32 $0xFFFFE400  }
0x83: {  	[hbm4b:s13+s4] =	stream.linear.scatter [tilespmem:s6], [sflag:$0xA], $0x1C00, $0x38;
	[tilespmem:$0xE680] =	vst v63  }
0x84: {  	_ =	swait.ge [sflag:s18], $0x1C00  }
0x85: {  	[sflag:s18] =	ssyncset.done $0x0  }
0x86: {  	s15 =	simm.s32 $0x578;
	[sflag:s18] =	ssyncadd.s32 $0xFFFFE400  }
0x87: {  	[tilespmem:s6], [sflag:$0x2] =	stream.indirect.gather [hbm4b:s1+s29], $0x80, s15, s29, $0xb8;
	[tilespmem:$0xE680] =	vst v63  }
0x88: {  	_ =	swait.ge [sflag:s5], $0x1C00  }
0x89: {  	[sflag:s5] =	ssyncset.done $0x0  }
0x8a: {  	s13 =	simm.s32 $0x3E80;
	s16 =	rddreg [dreg:$0xc];
	[sflag:s5] =	ssyncadd.s32 $0xFFFFE400  }
0x8b: {  	[hbm4b:s16+s4] =	stream.linear.scatter [tilespmem:s13], [sflag:$0xB], $0x1C00, $0x38;
	[tilespmem:$0xE680] =	vst v63  }
0x8c: {  	_ =	swait.ge [sflag:s8], $0x1C00  }
0x8d: {  	[sflag:s8] =	ssyncset.done $0x0  }
0x8e: {  	s31 =	simm.s32 $0x5B0;
	[sflag:s8] =	ssyncadd.s32 $0xFFFFE400  }
0x8f: {  	[tilespmem:s13], [sflag:$0x3] =	stream.indirect.gather [hbm4b:s1+s29], $0x80, s31, s29, $0xb8;
	[tilespmem:$0xE680] =	vst v63  }
0x90: {  	_ =	swait.ge [sflag:s9], $0x1C00  }
0x91: {  	[sflag:s9] =	ssyncset.done $0x0  }
0x92: {  	s15 =	simm.s32 $0x5A80;
	s11 =	rddreg [dreg:$0xd];
	[sflag:s9] =	ssyncadd.s32 $0xFFFFE400  }
0x93: {  	[hbm4b:s11+s4] =	stream.linear.scatter [tilespmem:s15], [sflag:$0xC], $0x1C00, $0x38;
	[tilespmem:$0xE680] =	vst v63  }
0x94: {  	_ =	swait.ge [sflag:s10], $0x1C00  }
0x95: {  	[sflag:s10] =	ssyncset.done $0x0  }
0x96: {  	s16 =	simm.s32 $0x5E8;
	[sflag:s10] =	ssyncadd.s32 $0xFFFFE400  }
0x97: {  	[tilespmem:s15], [sflag:$0x4] =	stream.indirect.gather [hbm4b:s1+s29], $0x80, s16, s29, $0xb8;
	[tilespmem:$0xE680] =	vst v63  }
0x98: {  	_ =	swait.ge [sflag:s21], $0x1C00  }
0x99: {  	[sflag:s21] =	ssyncset.done $0x0  }
0x9a: {  	s31 =	rddreg [dreg:$0xe];
	[sflag:s21] =	ssyncadd.s32 $0xFFFFE400  }
0x9b: {  	[hbm4b:s31+s4] =	stream.linear.scatter [tilespmem:s19], [sflag:$0xD], $0x1C00, $0x38;
	[tilespmem:$0xE680] =	vst v63  }
0x9c: {  	_ =	swait.ge [sflag:s23], $0x1C00  }
0x9d: {  	[sflag:s23] =	ssyncset.done $0x0  }
0x9e: {  	s11 =	rddreg [dreg:$0xf];
	[sflag:s23] =	ssyncadd.s32 $0xFFFFE400  }
0x9f: {  	[hbm4b:s11+s4] =	stream.linear.scatter [tilespmem:s7], [sflag:$0xE], $0x1C00, $0x38;
	[tilespmem:$0xE680] =	vst v63  }
0xa0: {  	_ =	swait.ge [sflag:s25], $0x1C00  }
0xa1: {  	[sflag:s25] =	ssyncset.done $0x0  }
0xa2: {  	s16 =	rddreg [dreg:$0x10];
	[sflag:s25] =	ssyncadd.s32 $0xFFFFE400  }
0xa3: {  	[hbm4b:s16+s4] =	stream.linear.scatter [tilespmem:s20], [sflag:$0xF], $0x1C00, $0x38;
	[tilespmem:$0xE680] =	vst v63  }
0xa4: {  	_ =	swait.ge [sflag:s22], $0x1C00  }
0xa5: {  	[sflag:s22] =	ssyncset.done $0x0  }
0xa6: {  	s16 =	simm.s32 $0x1;
	s31 =	rddreg [dreg:$0x11];
	[sflag:s22] =	ssyncadd.s32 $0xFFFFE400  }
0xa7: {  	[hbm4b:s31+s4] =	stream.linear.scatter [tilespmem:s17], [sflag:$0x10], $0x1C00, $0x38;
	[tilespmem:$0xE680] =	vst v63  }
0xa8: {  	_ =	swait.ge [sflag:s16], $0x1C00  }
0xa9: {  	[sflag:s16] =	ssyncset.done $0x0  }
0xaa: {  	s11 =	rddreg [dreg:$0x12];
	[sflag:s16] =	ssyncadd.s32 $0xFFFFE400  }
0xab: {  	[hbm4b:s11+s4] =	stream.linear.scatter [tilespmem:s2], [sflag:$0x9], $0x1C00, $0x38;
	[tilespmem:$0xE680] =	vst v63  }
0xac: {  	_ =	swait.ge [sflag:s28], $0x1C00  }
0xad: {  	[sflag:s28] =	ssyncset.done $0x0  }
0xae: {  	s31 =	rddreg [dreg:$0x13];
	[sflag:s28] =	ssyncadd.s32 $0xFFFFE400  }
0xaf: {  	[hbm4b:s31+s4] =	stream.linear.scatter [tilespmem:s6], [sflag:$0xA], $0x1C00, $0x38;
	[tilespmem:$0xE680] =	vst v63  }
0xb0: {  	_ =	swait.ge [sflag:s5], $0x1C00  }
0xb1: {  	[sflag:s5] =	ssyncset.done $0x0  }
0xb2: {  	s6 =	rddreg [dreg:$0x14];
	[sflag:s5] =	ssyncadd.s32 $0xFFFFE400  }
0xb3: {  	[hbm4b:s6+s4] =	stream.linear.scatter [tilespmem:s13], [sflag:$0xB], $0x1C00, $0x38;
	[tilespmem:$0xE680] =	vst v63  }
0xb4: {  	_ =	swait.ge [sflag:s9], $0x1C00  }
0xb5: {  	[sflag:s9] =	ssyncset.done $0x0  }
0xb6: {  	s31 =	rddreg [dreg:$0x16];
	[sflag:s9] =	ssyncadd.s32 $0xFFFFE400  }
0xb7: {  	[hbm4b:s31+s4] =	stream.linear.scatter [tilespmem:s15], [sflag:$0xC], $0x1C00, $0x38;
	[tilespmem:$0xE680] =	vst v63  }
0xb8: {  	_ =	swait.ge [sflag:s26], $0x1C00  }
0xb9: {  	[sflag:s26] =	ssyncset.done $0x0  }
0xba: {  	[sflag:s26] =	ssyncadd.s32 $0xFFFFE400  }
0xbb: {  	_ =	swait.ge [sflag:s18], $0x1C00  }
0xbc: {  	[sflag:s18] =	ssyncset.done $0x0  }
0xbd: {  	[sflag:s18] =	ssyncadd.s32 $0xFFFFE400  }
0xbe: {  	_ =	swait.ge [sflag:s8], $0x1C00  }
0xbf: {  	[sflag:s8] =	ssyncset.done $0x0  }
0xc0: {  	[sflag:s8] =	ssyncadd.s32 $0xFFFFE400  }
0xc1: {  	_ =	swait.ge [sflag:s10], $0x1C00  }
0xc2: {  	[sflag:s10] =	ssyncset.done $0x0  }
0xc3: {  	s5 =	simm.s32 $0xD;
	[sflag:s10] =	ssyncadd.s32 $0xFFFFE400  }
0xc4: {  	_ =	swait.ge [sflag:s5], $0x1C00  }
0xc5: {  	[sflag:s5] =	ssyncset.done $0x0  }
0xc6: {  	[sflag:s5] =	ssyncadd.s32 $0xFFFFE400  }
0xc7: {  	_ =	swait.ge [sflag:s24], $0x1C00  }
0xc8: {  	[sflag:s24] =	ssyncset.done $0x0  }
0xc9: {  	s6 =	simm.s32 $0xF;
	[sflag:s24] =	ssyncadd.s32 $0xFFFFE400  }
0xca: {  	_ =	swait.ge [sflag:s6], $0x1C00  }
0xcb: {  	[sflag:s6] =	ssyncset.done $0x0  }
0xcc: {  	[sflag:s6] =	ssyncadd.s32 $0xFFFFE400;
	s6 =	simm.s32 $0x10  }
0xcd: {  	_ =	swait.ge [sflag:s6], $0x1C00  }
0xce: {  	s15 =	rddreg [dreg:$0x17]  }
0xcf: {  	s31 =	rddreg [dreg:$0x15];
	s5 =	sadd.s32 $0x1, s15  }
0xd0: {  	p0 =	sne.s32 s5, s31  }
.Ltmp1:
0xd1: {  	_ = 	snop;
	(pc) =	sbr.rel @p0 .LBB2_1-.Ltmp1, $3  }
0xd2: {  	_ =	sdelay $0x1  }
0xd3: {  	s2 =	simm.s32 $0x2280;
	[sflag:s6] =	ssyncset.done $0x0  }
0xd4: {  	s11 =	simm.s32 $0x3E80;
	s13 =	simm.s32 $0x5A80;
	[sflag:s6] =	ssyncadd.s32 $0xFFFFE400  }
0xd5: {  	_ =	sfence.sel $0x180000  }
0xd6: {  	[bflag:$0x0] =	sbarrier.arrive $0xFFFF  }
0xd7: {  	_ =	strace $0x90000047  }
0xd8: {  	s0 =	stileid.u32;
	[bflag:$0x2] =	sbarrier.arrive $0xFFFF  }
0xd9: {  	p0 =	sne.s32 s0, $0x0;
	s0 =	rddreg [dreg:$0x3]  }
0xda: {  	s0 =	sadd.s32 @!p0 $0x100000, s0  }
0xdb: {  	[sflag:s0] =	ssyncadd.tile.s32 @!p0 $0x1;
	_ =	shalt  }
.Lfunc_end2:
_tile_overlayer_lowered:
.L_overlay_start_2:
0xdc: {  	(tag) =	ssettag $0x2  }
0xdd: {  	s0 =	rddreg [dreg:$0x0];
	s2 =	stileid.u32  }
0xde: {  	s1 =	rddreg [dreg:$0x1];
	p0 =	sne.s32 s2, $0x0  }
0xdf: {  	s3 =	rddreg [dreg:$0x2];
	[bflag:$0x3] =	sbarrier.arrive $0xFFFF;
	s2 =	simm.s32 @!p0 $0x1C11  }
0xe0: {  	[timem:s3], [sflag:s2] =	dma.local @!p0 [hbm:s0], s1  }
0xe1: {  	s0 =	simm.s32 @!p0 $0x11  }
0xe2: {  	_ =	swait.ge @!p0 [sflag:s0], s1  }
0xe3: {  	s1 =	ssub.s32 @!p0 $0x0, s1;
	[sflag:s0] =	ssyncset.done @!p0 $0x0  }
0xe4: {  	[sflag:s0] =	ssyncadd.s32 @!p0 s1  }
0xe5: {  	[bflag:$0x3] =	sbarrier.arrive $0xFFFF  }
0xe6: {  	_ =	shalt  }

</sc_bundles>
